<compile_context>
chip_gen: v7x
topology: tpu7x:2x2x1
jax: 0.10.2.dev20260603
libtpu: 0.0.44.dev20260713+nightly
codegen_flags: <defaults>
</compile_context>

<pallas_src>
import functools

import jax
import jax.numpy as jnp
from jax import lax
from jax.experimental import pallas as pl
from jax.experimental.pallas import tpu as pltpu
from jax.experimental.pallas import tpu_sc as plsc

BATCH = 512
D = 64
K = 4
NC = 2
NS = 16
NW = NC * NS
BLK = 32768


def _tc_project_table(fc_w, emb_t, c):
  n = emb_t.shape[1]
  grid = (n + BLK - 1) // BLK
  inv_c = float(1.0 / c)

  def body(w_ref, e_ref, *o_refs):
    pt = jnp.dot(w_ref[...] * inv_c, e_ref[...],
                 preferred_element_type=jnp.float32)
    for kk in range(K):
      o_refs[kk][...] = pt[kk]

  return pl.pallas_call(
      body,
      grid=(grid,),
      in_specs=[
          pl.BlockSpec((K, D), lambda i: (0, 0)),
          pl.BlockSpec((D, BLK), lambda i: (0, i)),
      ],
      out_specs=[pl.BlockSpec((BLK,), lambda i: (i,)) for _ in range(K)],
      out_shape=[jax.ShapeDtypeStruct((n,), jnp.float32) for _ in range(K)],
  )(fc_w, emb_t)


def _sc_gather_segsum(text, pt, c):
  sw = BATCH // NW
  tw = sw * c
  assert c % 8 == 0 and sw % 2 == 0 and tw % 128 == 0
  npair = 2 * c // 16
  straddle = c % 16 != 0
  mesh = plsc.VectorSubcoreMesh(core_axis_name="c", subcore_axis_name="s")

  @functools.partial(
      pl.kernel,
      mesh=mesh,
      compiler_params=pltpu.CompilerParams(
          needs_layout_passes=False, use_tc_tiling_on_sc=False),
      out_type=jax.ShapeDtypeStruct((K, BATCH), jnp.float32),
      scratch_types=[
          pltpu.VMEM((tw,), jnp.int32),
          pltpu.VMEM((K, tw), jnp.float32),
          pltpu.VMEM((K, 16), jnp.float32),
          pltpu.SemaphoreType.DMA,
      ],
  )
  def k(text_hbm, p0, p1, p2, p3, out, idx_v, d_v, acc_v, sem):
    wid = lax.axis_index("s") * NC + lax.axis_index("c")
    tbase = wid * tw
    pltpu.sync_copy(text_hbm.at[pl.ds(tbase, tw)], idx_v)
    ps = (p0, p1, p2, p3)
    for kk in range(K):
      pltpu.async_copy(ps[kk].at[idx_v], d_v.at[kk], sem)
    for kk in range(K):
      pltpu.make_async_copy(ps[kk].at[idx_v], d_v.at[kk], sem).wait()

    iota = lax.iota(jnp.int32, 16)
    one = jnp.full((16,), 1, jnp.int32)
    zero = jnp.full((16,), 0, jnp.int32)
    mask_lo = jnp.minimum(jnp.maximum(jnp.full((16,), 8, jnp.int32) - iota,
                                      zero), one).astype(jnp.float32)
    mask_hi = jnp.float32(1.0) - mask_lo

    def onehot(pos):
      dlt = iota - jnp.full((16,), pos, jnp.int32)
      return (one - jnp.minimum(dlt * dlt, one)).astype(jnp.float32)

    mid = c // 16

    def pair_body(p, accs):
      accs = list(accs)
      base = p * 2 * c
      for kk in range(K):
        psum_a = jnp.zeros((16,), jnp.float32)
        psum_b = jnp.zeros((16,), jnp.float32)
        for j in range(mid):
          psum_a = psum_a + d_v[kk, pl.ds(base + j * 16, 16)]
        if straddle:
          w = d_v[kk, pl.ds(base + mid * 16, 16)]
          psum_a = psum_a + w * mask_lo
          psum_b = psum_b + w * mask_hi
        for j in range(mid + (1 if straddle else 0), npair):
          psum_b = psum_b + d_v[kk, pl.ds(base + j * 16, 16)]
        ta = jnp.full((16,), jnp.sum(psum_a), jnp.float32)
        tb = jnp.full((16,), jnp.sum(psum_b), jnp.float32)
        accs[kk] = accs[kk] + ta * onehot(2 * p) + tb * onehot(2 * p + 1)
      return tuple(accs)

    accs = lax.fori_loop(
        0, sw // 2, pair_body,
        tuple(jnp.zeros((16,), jnp.float32) for _ in range(K)))
    for kk in range(K):
      acc_v[kk, pl.ds(0, 16)] = accs[kk]
      pltpu.sync_copy(acc_v.at[kk], out.at[kk].at[pl.ds(wid * sw, sw)])

  return k(text, *pt)


def kernel(text, emb_table, fc_w, fc_b):
  n = text.shape[0]
  c = n // BATCH
  assert BATCH * c == n and c % 8 == 0 and emb_table.shape[1] == D
  pt = _tc_project_table(fc_w.astype(jnp.float32), emb_table.T, c)
  out = _sc_gather_segsum(text.astype(jnp.int32), pt, c)
  return out.T + fc_b.astype(jnp.float32)

# --- scband reference (transcript-rebuilt; emitter-appended) ---
"""Pipeline reference for scband-text-sentiment-13915694039848 (READ-ONLY COPY).

The authoritative reference and input builder live on the scoring server;
editing this copy changes nothing except your own understanding.
"""

import jax, jax.numpy as jnp
import numpy as np

BATCH_SIZE = 512
VOCAB = 1000000
EMBED_DIM = 64
NUM_CLASS = 4
N_TOKENS = 102400


def setup_inputs(seed: int = 0) -> dict:
    key = jax.random.key(seed)
    k_text, k_emb, k_w = jax.random.split(key, 3)
    text = jax.random.randint(k_text, (N_TOKENS,), 0, VOCAB, dtype=jnp.int64 if jax.config.jax_enable_x64 else jnp.int32)
    emb_table = jax.random.uniform(k_emb, (VOCAB, EMBED_DIM), dtype=jnp.float32, minval=-0.5, maxval=0.5)
    fc_w = jax.random.uniform(k_w, (NUM_CLASS, EMBED_DIM), dtype=jnp.float32, minval=-0.5, maxval=0.5)
    fc_b = jnp.zeros((NUM_CLASS,), dtype=jnp.float32)
    return {"text": text, "emb_table": emb_table, "fc_w": fc_w, "fc_b": fc_b}


def reference(text, emb_table, fc_w, fc_b):
    # embedding lookup (gather)
    embedded = jnp.take(emb_table, text, axis=0)  # [N, D]
    n = embedded.shape[0]
    c = n // BATCH_SIZE
    embedded = embedded[: BATCH_SIZE * c]
    # torch: transpose->unsqueeze->avg_pool1d(kernel=c)->transpose is mean over
    # consecutive chunks of length c along the token axis
    pooled = embedded.reshape(BATCH_SIZE, c, EMBED_DIM).mean(axis=1)  # [512, D]
    return pooled @ fc_w.T + fc_b  # [512, num_class]

if __name__ == "__main__":
    import jax
    _d = setup_inputs()
    print(jax.jit(kernel)(*tuple(_d.values())))

</pallas_src>

<mosaic_0001>
#map = affine_map<(d0, d1) -> (0)>
#map1 = affine_map<(d0, d1) -> (0, 0)>
module attributes {stable_mosaic.version = 14 : i64} {
  func.func @k(%arg0: i32, %arg1: i32, %arg2: memref<102400xi32, #tpu.memory_space<hbm>>, %arg3: memref<1000000xf32, #tpu.memory_space<hbm>>, %arg4: memref<1000000xf32, #tpu.memory_space<hbm>>, %arg5: memref<1000000xf32, #tpu.memory_space<hbm>>, %arg6: memref<1000000xf32, #tpu.memory_space<hbm>>, %arg7: memref<4x512xf32, #tpu.memory_space<hbm>>, %arg8: memref<3200xi32, #tpu.memory_space<vmem>>, %arg9: memref<4x3200xf32, #tpu.memory_space<vmem>>, %arg10: memref<4x16xf32, #tpu.memory_space<vmem>>, %arg11: memref<!tpu.dma_semaphore, #tpu.memory_space<semaphore_mem>>) attributes {dimension_semantics = [#tpu.dimension_semantics<core_parallel>, #tpu.dimension_semantics<subcore_parallel>], iteration_bounds = array<i64: 2, 16>, scalar_prefetch = 0 : i64, scratch_operands = 4 : i64, tpu.core_type = #tpu.core_type<sc_vector_subcore>, window_params = [{transform_indices = #map}, {transform_indices = #map}, {transform_indices = #map}, {transform_indices = #map}, {transform_indices = #map}, {transform_indices = #map1}]} {
    %mul3A = arith.constant 2 : i32
    %mul3A_0 = arith.muli %arg1, %mul3A : i32
    %add3A = arith.addi %mul3A_0, %arg0 : i32
    %mul3A_1 = arith.constant 3200 : i32
    %mul3A_2 = arith.muli %add3A, %mul3A_1 : i32
    "tpu.region"() ({
      %run_scoped3A_100 = tpu.sem_alloc : memref<!tpu.dma_semaphore, #tpu.memory_space<semaphore_mem>>
      %dma_start3A_101 = tpu.memref_slice %arg2[%mul3A_2] : memref<102400xi32, #tpu.memory_space<hbm>> -> memref<3200xi32, #tpu.memory_space<hbm>>
      %dma_start3A_102 = tpu.memref_slice %arg2[%mul3A_2] : memref<102400xi32, #tpu.memory_space<hbm>> -> memref<3200xi32, #tpu.memory_space<hbm>>
      tpu.enqueue_dma source(%dma_start3A_102 : memref<3200xi32, #tpu.memory_space<hbm>>) target(%arg8 : memref<3200xi32, #tpu.memory_space<vmem>>) target_semaphore(%run_scoped3A_100 : memref<!tpu.dma_semaphore, #tpu.memory_space<semaphore_mem>>)
      %dma_wait3A_103 = tpu.memref_slice %arg2[%mul3A_2] : memref<102400xi32, #tpu.memory_space<hbm>> -> memref<3200xi32, #tpu.memory_space<hbm>>
      %dma_wait3A_104 = tpu.memref_slice %arg2[%mul3A_2] : memref<102400xi32, #tpu.memory_space<hbm>> -> memref<3200xi32, #tpu.memory_space<hbm>>
      tpu.wait_dma2 semaphore(%run_scoped3A_100 : memref<!tpu.dma_semaphore, #tpu.memory_space<semaphore_mem>>) src(%dma_wait3A_104 : memref<3200xi32, #tpu.memory_space<hbm>>) dst(%arg8 : memref<3200xi32, #tpu.memory_space<vmem>>)
      tpu.yield
    }) : () -> ()
    %dma_start3A = arith.constant 0 : i32
    %dma_start3A_3 = arith.constant 0 : i32
    %dma_start3A_4 = tpu.memref_slice %arg9[%dma_start3A, %dma_start3A_3] : memref<4x3200xf32, #tpu.memory_space<vmem>> -> memref<1x3200xf32, #tpu.memory_space<vmem>>
    %dma_start3A_5 = tpu.memref_squeeze %dma_start3A_4 : memref<1x3200xf32, #tpu.memory_space<vmem>> -> memref<3200xf32, #tpu.memory_space<vmem>>
    %dma_start3A_6 = arith.constant 0 : i32
    %dma_start3A_7 = tpu.memref_slice %arg3[%dma_start3A_6] : memref<1000000xf32, #tpu.memory_space<hbm>> -> memref<1000000xf32, #tpu.memory_space<hbm>>
    tpu.enqueue_indirect_dma source(%dma_start3A_7 : memref<1000000xf32, #tpu.memory_space<hbm>>) target(%dma_start3A_5 : memref<3200xf32, #tpu.memory_space<vmem>>) offsets(%arg8 : memref<3200xi32, #tpu.memory_space<vmem>>) semaphore(%arg11 : memref<!tpu.dma_semaphore, #tpu.memory_space<semaphore_mem>>)
    %dma_start3A_8 = arith.constant 1 : i32
    %dma_start3A_9 = arith.constant 0 : i32
    %dma_start3A_10 = tpu.memref_slice %arg9[%dma_start3A_8, %dma_start3A_9] : memref<4x3200xf32, #tpu.memory_space<vmem>> -> memref<1x3200xf32, #tpu.memory_space<vmem>>
    %dma_start3A_11 = tpu.memref_squeeze %dma_start3A_10 : memref<1x3200xf32, #tpu.memory_space<vmem>> -> memref<3200xf32, #tpu.memory_space<vmem>>
    %dma_start3A_12 = arith.constant 0 : i32
    %dma_start3A_13 = tpu.memref_slice %arg4[%dma_start3A_12] : memref<1000000xf32, #tpu.memory_space<hbm>> -> memref<1000000xf32, #tpu.memory_space<hbm>>
    tpu.enqueue_indirect_dma source(%dma_start3A_13 : memref<1000000xf32, #tpu.memory_space<hbm>>) target(%dma_start3A_11 : memref<3200xf32, #tpu.memory_space<vmem>>) offsets(%arg8 : memref<3200xi32, #tpu.memory_space<vmem>>) semaphore(%arg11 : memref<!tpu.dma_semaphore, #tpu.memory_space<semaphore_mem>>)
    %dma_start3A_14 = arith.constant 2 : i32
    %dma_start3A_15 = arith.constant 0 : i32
    %dma_start3A_16 = tpu.memref_slice %arg9[%dma_start3A_14, %dma_start3A_15] : memref<4x3200xf32, #tpu.memory_space<vmem>> -> memref<1x3200xf32, #tpu.memory_space<vmem>>
    %dma_start3A_17 = tpu.memref_squeeze %dma_start3A_16 : memref<1x3200xf32, #tpu.memory_space<vmem>> -> memref<3200xf32, #tpu.memory_space<vmem>>
    %dma_start3A_18 = arith.constant 0 : i32
    %dma_start3A_19 = tpu.memref_slice %arg5[%dma_start3A_18] : memref<1000000xf32, #tpu.memory_space<hbm>> -> memref<1000000xf32, #tpu.memory_space<hbm>>
    tpu.enqueue_indirect_dma source(%dma_start3A_19 : memref<1000000xf32, #tpu.memory_space<hbm>>) target(%dma_start3A_17 : memref<3200xf32, #tpu.memory_space<vmem>>) offsets(%arg8 : memref<3200xi32, #tpu.memory_space<vmem>>) semaphore(%arg11 : memref<!tpu.dma_semaphore, #tpu.memory_space<semaphore_mem>>)
    %dma_start3A_20 = arith.constant 3 : i32
    %dma_start3A_21 = arith.constant 0 : i32
    %dma_start3A_22 = tpu.memref_slice %arg9[%dma_start3A_20, %dma_start3A_21] : memref<4x3200xf32, #tpu.memory_space<vmem>> -> memref<1x3200xf32, #tpu.memory_space<vmem>>
    %dma_start3A_23 = tpu.memref_squeeze %dma_start3A_22 : memref<1x3200xf32, #tpu.memory_space<vmem>> -> memref<3200xf32, #tpu.memory_space<vmem>>
    %dma_start3A_24 = arith.constant 0 : i32
    %dma_start3A_25 = tpu.memref_slice %arg6[%dma_start3A_24] : memref<1000000xf32, #tpu.memory_space<hbm>> -> memref<1000000xf32, #tpu.memory_space<hbm>>
    tpu.enqueue_indirect_dma source(%dma_start3A_25 : memref<1000000xf32, #tpu.memory_space<hbm>>) target(%dma_start3A_23 : memref<3200xf32, #tpu.memory_space<vmem>>) offsets(%arg8 : memref<3200xi32, #tpu.memory_space<vmem>>) semaphore(%arg11 : memref<!tpu.dma_semaphore, #tpu.memory_space<semaphore_mem>>)
    %dma_wait3A = arith.constant 0 : i32
    %dma_wait3A_26 = arith.constant 0 : i32
    %dma_wait3A_27 = tpu.memref_slice %arg9[%dma_wait3A, %dma_wait3A_26] : memref<4x3200xf32, #tpu.memory_space<vmem>> -> memref<1x3200xf32, #tpu.memory_space<vmem>>
    %dma_wait3A_28 = tpu.memref_squeeze %dma_wait3A_27 : memref<1x3200xf32, #tpu.memory_space<vmem>> -> memref<3200xf32, #tpu.memory_space<vmem>>
    %dma_wait3A_29 = arith.constant 0 : i32
    %dma_wait3A_30 = tpu.memref_slice %arg3[%dma_wait3A_29] : memref<1000000xf32, #tpu.memory_space<hbm>> -> memref<1000000xf32, #tpu.memory_space<hbm>>
    tpu.wait_indirect_dma semaphore(%arg11 : memref<!tpu.dma_semaphore, #tpu.memory_space<semaphore_mem>>) src(%dma_wait3A_30 : memref<1000000xf32, #tpu.memory_space<hbm>>) dst(%dma_wait3A_28 : memref<3200xf32, #tpu.memory_space<vmem>>)
    %dma_wait3A_31 = arith.constant 1 : i32
    %dma_wait3A_32 = arith.constant 0 : i32
    %dma_wait3A_33 = tpu.memref_slice %arg9[%dma_wait3A_31, %dma_wait3A_32] : memref<4x3200xf32, #tpu.memory_space<vmem>> -> memref<1x3200xf32, #tpu.memory_space<vmem>>
    %dma_wait3A_34 = tpu.memref_squeeze %dma_wait3A_33 : memref<1x3200xf32, #tpu.memory_space<vmem>> -> memref<3200xf32, #tpu.memory_space<vmem>>
    %dma_wait3A_35 = arith.constant 0 : i32
    %dma_wait3A_36 = tpu.memref_slice %arg4[%dma_wait3A_35] : memref<1000000xf32, #tpu.memory_space<hbm>> -> memref<1000000xf32, #tpu.memory_space<hbm>>
    tpu.wait_indirect_dma semaphore(%arg11 : memref<!tpu.dma_semaphore, #tpu.memory_space<semaphore_mem>>) src(%dma_wait3A_36 : memref<1000000xf32, #tpu.memory_space<hbm>>) dst(%dma_wait3A_34 : memref<3200xf32, #tpu.memory_space<vmem>>)
    %dma_wait3A_37 = arith.constant 2 : i32
    %dma_wait3A_38 = arith.constant 0 : i32
    %dma_wait3A_39 = tpu.memref_slice %arg9[%dma_wait3A_37, %dma_wait3A_38] : memref<4x3200xf32, #tpu.memory_space<vmem>> -> memref<1x3200xf32, #tpu.memory_space<vmem>>
    %dma_wait3A_40 = tpu.memref_squeeze %dma_wait3A_39 : memref<1x3200xf32, #tpu.memory_space<vmem>> -> memref<3200xf32, #tpu.memory_space<vmem>>
    %dma_wait3A_41 = arith.constant 0 : i32
    %dma_wait3A_42 = tpu.memref_slice %arg5[%dma_wait3A_41] : memref<1000000xf32, #tpu.memory_space<hbm>> -> memref<1000000xf32, #tpu.memory_space<hbm>>
    tpu.wait_indirect_dma semaphore(%arg11 : memref<!tpu.dma_semaphore, #tpu.memory_space<semaphore_mem>>) src(%dma_wait3A_42 : memref<1000000xf32, #tpu.memory_space<hbm>>) dst(%dma_wait3A_40 : memref<3200xf32, #tpu.memory_space<vmem>>)
    %dma_wait3A_43 = arith.constant 3 : i32
    %dma_wait3A_44 = arith.constant 0 : i32
    %dma_wait3A_45 = tpu.memref_slice %arg9[%dma_wait3A_43, %dma_wait3A_44] : memref<4x3200xf32, #tpu.memory_space<vmem>> -> memref<1x3200xf32, #tpu.memory_space<vmem>>
    %dma_wait3A_46 = tpu.memref_squeeze %dma_wait3A_45 : memref<1x3200xf32, #tpu.memory_space<vmem>> -> memref<3200xf32, #tpu.memory_space<vmem>>
    %dma_wait3A_47 = arith.constant 0 : i32
    %dma_wait3A_48 = tpu.memref_slice %arg6[%dma_wait3A_47] : memref<1000000xf32, #tpu.memory_space<hbm>> -> memref<1000000xf32, #tpu.memory_space<hbm>>
    tpu.wait_indirect_dma semaphore(%arg11 : memref<!tpu.dma_semaphore, #tpu.memory_space<semaphore_mem>>) src(%dma_wait3A_48 : memref<1000000xf32, #tpu.memory_space<hbm>>) dst(%dma_wait3A_46 : memref<3200xf32, #tpu.memory_space<vmem>>)
    %iota3A = tpu.iota {dimensions = array<i32: 0>} : vector<16xi32>
    %broadcast_in_dim3A = arith.constant 1 : i32
    %broadcast_in_dim3A_49 = vector.broadcast %broadcast_in_dim3A : i32 to vector<16xi32>
    %broadcast_in_dim3A_50 = arith.constant 0 : i32
    %broadcast_in_dim3A_51 = vector.broadcast %broadcast_in_dim3A_50 : i32 to vector<16xi32>
    %broadcast_in_dim3A_52 = arith.constant 8 : i32
    %broadcast_in_dim3A_53 = vector.broadcast %broadcast_in_dim3A_52 : i32 to vector<16xi32>
    %sub3A = arith.subi %broadcast_in_dim3A_53, %iota3A : vector<16xi32>
    %max3A = arith.maxsi %sub3A, %broadcast_in_dim3A_51 : vector<16xi32>
    %min3A = arith.minsi %max3A, %broadcast_in_dim3A_49 : vector<16xi32>
    %convert_element_type3A = arith.sitofp %min3A : vector<16xi32> to vector<16xf32>
    %sub3A_54 = arith.constant 1.000000e+00 : f32
    %sub3A_55 = vector.broadcast %sub3A_54 : f32 to vector<16xf32>
    %sub3A_56 = arith.subf %sub3A_55, %convert_element_type3A : vector<16xf32>
    %broadcast_in_dim3A_57 = arith.constant 0.000000e+00 : f32
    %broadcast_in_dim3A_58 = vector.broadcast %broadcast_in_dim3A_57 : f32 to vector<16xf32>
    %broadcast_in_dim3A_59 = arith.constant 0.000000e+00 : f32
    %broadcast_in_dim3A_60 = vector.broadcast %broadcast_in_dim3A_59 : f32 to vector<16xf32>
    %broadcast_in_dim3A_61 = arith.constant 0.000000e+00 : f32
    %broadcast_in_dim3A_62 = vector.broadcast %broadcast_in_dim3A_61 : f32 to vector<16xf32>
    %broadcast_in_dim3A_63 = arith.constant 0.000000e+00 : f32
    %broadcast_in_dim3A_64 = vector.broadcast %broadcast_in_dim3A_63 : f32 to vector<16xf32>
    %scan3A = arith.constant 0 : i32
    %scan3A_65 = arith.constant 8 : i32
    %scan3A_66 = arith.addi %scan3A, %scan3A_65 : i32
    %scan3A_67 = arith.constant 1 : i32
    %scan3A_68:4 = scf.for %scan3A_100 = %scan3A to %scan3A_66 step %scan3A_67 iter_args(%scan3A_101 = %broadcast_in_dim3A_58, %scan3A_102 = %broadcast_in_dim3A_60, %scan3A_103 = %broadcast_in_dim3A_62, %scan3A_104 = %broadcast_in_dim3A_64) -> (vector<16xf32>, vector<16xf32>, vector<16xf32>, vector<16xf32>)  : i32 {
      %mul3A_105 = arith.constant 2 : i32
      %mul3A_106 = arith.muli %scan3A_100, %mul3A_105 : i32
      %mul3A_107 = arith.constant 200 : i32
      %mul3A_108 = arith.muli %mul3A_106, %mul3A_107 : i32
      %broadcast_in_dim3A_109 = arith.constant 0.000000e+00 : f32
      %broadcast_in_dim3A_110 = vector.broadcast %broadcast_in_dim3A_109 : f32 to vector<16xf32>
      %broadcast_in_dim3A_111 = arith.constant 0.000000e+00 : f32
      %broadcast_in_dim3A_112 = vector.broadcast %broadcast_in_dim3A_111 : f32 to vector<16xf32>
      %add3A_113 = arith.constant 0 : i32
      %add3A_114 = arith.addi %mul3A_108, %add3A_113 : i32
      %get3A = arith.constant 0 : i32
      %get3A_115 = arith.index_cast %get3A : i32 to index
      %get3A_116 = arith.index_cast %add3A_114 : i32 to index
      %get3A_117 = tpu.vector_load %arg9[%get3A_115, %get3A_116] {strides = array<i32>} : memref<4x3200xf32, #tpu.memory_space<vmem>>, vector<16xf32>,
      %add3A_118 = arith.addf %broadcast_in_dim3A_110, %get3A_117 : vector<16xf32>
      %add3A_119 = arith.constant 16 : i32
      %add3A_120 = arith.addi %mul3A_108, %add3A_119 : i32
      %get3A_121 = arith.constant 0 : i32
      %get3A_122 = arith.index_cast %get3A_121 : i32 to index
      %get3A_123 = arith.index_cast %add3A_120 : i32 to index
      %get3A_124 = tpu.vector_load %arg9[%get3A_122, %get3A_123] {strides = array<i32>} : memref<4x3200xf32, #tpu.memory_space<vmem>>, vector<16xf32>,
      %add3A_125 = arith.addf %add3A_118, %get3A_124 : vector<16xf32>
      %add3A_126 = arith.constant 32 : i32
      %add3A_127 = arith.addi %mul3A_108, %add3A_126 : i32
      %get3A_128 = arith.constant 0 : i32
      %get3A_129 = arith.index_cast %get3A_128 : i32 to index
      %get3A_130 = arith.index_cast %add3A_127 : i32 to index
      %get3A_131 = tpu.vector_load %arg9[%get3A_129, %get3A_130] {strides = array<i32>} : memref<4x3200xf32, #tpu.memory_space<vmem>>, vector<16xf32>,
      %add3A_132 = arith.addf %add3A_125, %get3A_131 : vector<16xf32>
      %add3A_133 = arith.constant 48 : i32
      %add3A_134 = arith.addi %mul3A_108, %add3A_133 : i32
      %get3A_135 = arith.constant 0 : i32
      %get3A_136 = arith.index_cast %get3A_135 : i32 to index
      %get3A_137 = arith.index_cast %add3A_134 : i32 to index
      %get3A_138 = tpu.vector_load %arg9[%get3A_136, %get3A_137] {strides = array<i32>} : memref<4x3200xf32, #tpu.memory_space<vmem>>, vector<16xf32>,
      %add3A_139 = arith.addf %add3A_132, %get3A_138 : vector<16xf32>
      %add3A_140 = arith.constant 64 : i32
      %add3A_141 = arith.addi %mul3A_108, %add3A_140 : i32
      %get3A_142 = arith.constant 0 : i32
      %get3A_143 = arith.index_cast %get3A_142 : i32 to index
      %get3A_144 = arith.index_cast %add3A_141 : i32 to index
      %get3A_145 = tpu.vector_load %arg9[%get3A_143, %get3A_144] {strides = array<i32>} : memref<4x3200xf32, #tpu.memory_space<vmem>>, vector<16xf32>,
      %add3A_146 = arith.addf %add3A_139, %get3A_145 : vector<16xf32>
      %add3A_147 = arith.constant 80 : i32
      %add3A_148 = arith.addi %mul3A_108, %add3A_147 : i32
      %get3A_149 = arith.constant 0 : i32
      %get3A_150 = arith.index_cast %get3A_149 : i32 to index
      %get3A_151 = arith.index_cast %add3A_148 : i32 to index
      %get3A_152 = tpu.vector_load %arg9[%get3A_150, %get3A_151] {strides = array<i32>} : memref<4x3200xf32, #tpu.memory_space<vmem>>, vector<16xf32>,
      %add3A_153 = arith.addf %add3A_146, %get3A_152 : vector<16xf32>
      %add3A_154 = arith.constant 96 : i32
      %add3A_155 = arith.addi %mul3A_108, %add3A_154 : i32
      %get3A_156 = arith.constant 0 : i32
      %get3A_157 = arith.index_cast %get3A_156 : i32 to index
      %get3A_158 = arith.index_cast %add3A_155 : i32 to index
      %get3A_159 = tpu.vector_load %arg9[%get3A_157, %get3A_158] {strides = array<i32>} : memref<4x3200xf32, #tpu.memory_space<vmem>>, vector<16xf32>,
      %add3A_160 = arith.addf %add3A_153, %get3A_159 : vector<16xf32>
      %add3A_161 = arith.constant 112 : i32
      %add3A_162 = arith.addi %mul3A_108, %add3A_161 : i32
      %get3A_163 = arith.constant 0 : i32
      %get3A_164 = arith.index_cast %get3A_163 : i32 to index
      %get3A_165 = arith.index_cast %add3A_162 : i32 to index
      %get3A_166 = tpu.vector_load %arg9[%get3A_164, %get3A_165] {strides = array<i32>} : memref<4x3200xf32, #tpu.memory_space<vmem>>, vector<16xf32>,
      %add3A_167 = arith.addf %add3A_160, %get3A_166 : vector<16xf32>
      %add3A_168 = arith.constant 128 : i32
      %add3A_169 = arith.addi %mul3A_108, %add3A_168 : i32
      %get3A_170 = arith.constant 0 : i32
      %get3A_171 = arith.index_cast %get3A_170 : i32 to index
      %get3A_172 = arith.index_cast %add3A_169 : i32 to index
      %get3A_173 = tpu.vector_load %arg9[%get3A_171, %get3A_172] {strides = array<i32>} : memref<4x3200xf32, #tpu.memory_space<vmem>>, vector<16xf32>,
      %add3A_174 = arith.addf %add3A_167, %get3A_173 : vector<16xf32>
      %add3A_175 = arith.constant 144 : i32
      %add3A_176 = arith.addi %mul3A_108, %add3A_175 : i32
      %get3A_177 = arith.constant 0 : i32
      %get3A_178 = arith.index_cast %get3A_177 : i32 to index
      %get3A_179 = arith.index_cast %add3A_176 : i32 to index
      %get3A_180 = tpu.vector_load %arg9[%get3A_178, %get3A_179] {strides = array<i32>} : memref<4x3200xf32, #tpu.memory_space<vmem>>, vector<16xf32>,
      %add3A_181 = arith.addf %add3A_174, %get3A_180 : vector<16xf32>
      %add3A_182 = arith.constant 160 : i32
      %add3A_183 = arith.addi %mul3A_108, %add3A_182 : i32
      %get3A_184 = arith.constant 0 : i32
      %get3A_185 = arith.index_cast %get3A_184 : i32 to index
      %get3A_186 = arith.index_cast %add3A_183 : i32 to index
      %get3A_187 = tpu.vector_load %arg9[%get3A_185, %get3A_186] {strides = array<i32>} : memref<4x3200xf32, #tpu.memory_space<vmem>>, vector<16xf32>,
      %add3A_188 = arith.addf %add3A_181, %get3A_187 : vector<16xf32>
      %add3A_189 = arith.constant 176 : i32
      %add3A_190 = arith.addi %mul3A_108, %add3A_189 : i32
      %get3A_191 = arith.constant 0 : i32
      %get3A_192 = arith.index_cast %get3A_191 : i32 to index
      %get3A_193 = arith.index_cast %add3A_190 : i32 to index
      %get3A_194 = tpu.vector_load %arg9[%get3A_192, %get3A_193] {strides = array<i32>} : memref<4x3200xf32, #tpu.memory_space<vmem>>, vector<16xf32>,
      %add3A_195 = arith.addf %add3A_188, %get3A_194 : vector<16xf32>
      %add3A_196 = arith.constant 192 : i32
      %add3A_197 = arith.addi %mul3A_108, %add3A_196 : i32
      %get3A_198 = arith.constant 0 : i32
      %get3A_199 = arith.index_cast %get3A_198 : i32 to index
      %get3A_200 = arith.index_cast %add3A_197 : i32 to index
      %get3A_201 = tpu.vector_load %arg9[%get3A_199, %get3A_200] {strides = array<i32>} : memref<4x3200xf32, #tpu.memory_space<vmem>>, vector<16xf32>,
      %mul3A_202 = arith.mulf %get3A_201, %convert_element_type3A : vector<16xf32>
      %add3A_203 = arith.addf %add3A_195, %mul3A_202 : vector<16xf32>
      %mul3A_204 = arith.mulf %get3A_201, %sub3A_56 : vector<16xf32>
      %add3A_205 = arith.addf %broadcast_in_dim3A_112, %mul3A_204 : vector<16xf32>
      %add3A_206 = arith.constant 208 : i32
      %add3A_207 = arith.addi %mul3A_108, %add3A_206 : i32
      %get3A_208 = arith.constant 0 : i32
      %get3A_209 = arith.index_cast %get3A_208 : i32 to index
      %get3A_210 = arith.index_cast %add3A_207 : i32 to index
      %get3A_211 = tpu.vector_load %arg9[%get3A_209, %get3A_210] {strides = array<i32>} : memref<4x3200xf32, #tpu.memory_space<vmem>>, vector<16xf32>,
      %add3A_212 = arith.addf %add3A_205, %get3A_211 : vector<16xf32>
      %add3A_213 = arith.constant 224 : i32
      %add3A_214 = arith.addi %mul3A_108, %add3A_213 : i32
      %get3A_215 = arith.constant 0 : i32
      %get3A_216 = arith.index_cast %get3A_215 : i32 to index
      %get3A_217 = arith.index_cast %add3A_214 : i32 to index
      %get3A_218 = tpu.vector_load %arg9[%get3A_216, %get3A_217] {strides = array<i32>} : memref<4x3200xf32, #tpu.memory_space<vmem>>, vector<16xf32>,
      %add3A_219 = arith.addf %add3A_212, %get3A_218 : vector<16xf32>
      %add3A_220 = arith.constant 240 : i32
      %add3A_221 = arith.addi %mul3A_108, %add3A_220 : i32
      %get3A_222 = arith.constant 0 : i32
      %get3A_223 = arith.index_cast %get3A_222 : i32 to index
      %get3A_224 = arith.index_cast %add3A_221 : i32 to index
      %get3A_225 = tpu.vector_load %arg9[%get3A_223, %get3A_224] {strides = array<i32>} : memref<4x3200xf32, #tpu.memory_space<vmem>>, vector<16xf32>,
      %add3A_226 = arith.addf %add3A_219, %get3A_225 : vector<16xf32>
      %add3A_227 = arith.constant 256 : i32
      %add3A_228 = arith.addi %mul3A_108, %add3A_227 : i32
      %get3A_229 = arith.constant 0 : i32
      %get3A_230 = arith.index_cast %get3A_229 : i32 to index
      %get3A_231 = arith.index_cast %add3A_228 : i32 to index
      %get3A_232 = tpu.vector_load %arg9[%get3A_230, %get3A_231] {strides = array<i32>} : memref<4x3200xf32, #tpu.memory_space<vmem>>, vector<16xf32>,
      %add3A_233 = arith.addf %add3A_226, %get3A_232 : vector<16xf32>
      %add3A_234 = arith.constant 272 : i32
      %add3A_235 = arith.addi %mul3A_108, %add3A_234 : i32
      %get3A_236 = arith.constant 0 : i32
      %get3A_237 = arith.index_cast %get3A_236 : i32 to index
      %get3A_238 = arith.index_cast %add3A_235 : i32 to index
      %get3A_239 = tpu.vector_load %arg9[%get3A_237, %get3A_238] {strides = array<i32>} : memref<4x3200xf32, #tpu.memory_space<vmem>>, vector<16xf32>,
      %add3A_240 = arith.addf %add3A_233, %get3A_239 : vector<16xf32>
      %add3A_241 = arith.constant 288 : i32
      %add3A_242 = arith.addi %mul3A_108, %add3A_241 : i32
      %get3A_243 = arith.constant 0 : i32
      %get3A_244 = arith.index_cast %get3A_243 : i32 to index
      %get3A_245 = arith.index_cast %add3A_242 : i32 to index
      %get3A_246 = tpu.vector_load %arg9[%get3A_244, %get3A_245] {strides = array<i32>} : memref<4x3200xf32, #tpu.memory_space<vmem>>, vector<16xf32>,
      %add3A_247 = arith.addf %add3A_240, %get3A_246 : vector<16xf32>
      %add3A_248 = arith.constant 304 : i32
      %add3A_249 = arith.addi %mul3A_108, %add3A_248 : i32
      %get3A_250 = arith.constant 0 : i32
      %get3A_251 = arith.index_cast %get3A_250 : i32 to index
      %get3A_252 = arith.index_cast %add3A_249 : i32 to index
      %get3A_253 = tpu.vector_load %arg9[%get3A_251, %get3A_252] {strides = array<i32>} : memref<4x3200xf32, #tpu.memory_space<vmem>>, vector<16xf32>,
      %add3A_254 = arith.addf %add3A_247, %get3A_253 : vector<16xf32>
      %add3A_255 = arith.constant 320 : i32
      %add3A_256 = arith.addi %mul3A_108, %add3A_255 : i32
      %get3A_257 = arith.constant 0 : i32
      %get3A_258 = arith.index_cast %get3A_257 : i32 to index
      %get3A_259 = arith.index_cast %add3A_256 : i32 to index
      %get3A_260 = tpu.vector_load %arg9[%get3A_258, %get3A_259] {strides = array<i32>} : memref<4x3200xf32, #tpu.memory_space<vmem>>, vector<16xf32>,
      %add3A_261 = arith.addf %add3A_254, %get3A_260 : vector<16xf32>
      %add3A_262 = arith.constant 336 : i32
      %add3A_263 = arith.addi %mul3A_108, %add3A_262 : i32
      %get3A_264 = arith.constant 0 : i32
      %get3A_265 = arith.index_cast %get3A_264 : i32 to index
      %get3A_266 = arith.index_cast %add3A_263 : i32 to index
      %get3A_267 = tpu.vector_load %arg9[%get3A_265, %get3A_266] {strides = array<i32>} : memref<4x3200xf32, #tpu.memory_space<vmem>>, vector<16xf32>,
      %add3A_268 = arith.addf %add3A_261, %get3A_267 : vector<16xf32>
      %add3A_269 = arith.constant 352 : i32
      %add3A_270 = arith.addi %mul3A_108, %add3A_269 : i32
      %get3A_271 = arith.constant 0 : i32
      %get3A_272 = arith.index_cast %get3A_271 : i32 to index
      %get3A_273 = arith.index_cast %add3A_270 : i32 to index
      %get3A_274 = tpu.vector_load %arg9[%get3A_272, %get3A_273] {strides = array<i32>} : memref<4x3200xf32, #tpu.memory_space<vmem>>, vector<16xf32>,
      %add3A_275 = arith.addf %add3A_268, %get3A_274 : vector<16xf32>
      %add3A_276 = arith.constant 368 : i32
      %add3A_277 = arith.addi %mul3A_108, %add3A_276 : i32
      %get3A_278 = arith.constant 0 : i32
      %get3A_279 = arith.index_cast %get3A_278 : i32 to index
      %get3A_280 = arith.index_cast %add3A_277 : i32 to index
      %get3A_281 = tpu.vector_load %arg9[%get3A_279, %get3A_280] {strides = array<i32>} : memref<4x3200xf32, #tpu.memory_space<vmem>>, vector<16xf32>,
      %add3A_282 = arith.addf %add3A_275, %get3A_281 : vector<16xf32>
      %add3A_283 = arith.constant 384 : i32
      %add3A_284 = arith.addi %mul3A_108, %add3A_283 : i32
      %get3A_285 = arith.constant 0 : i32
      %get3A_286 = arith.index_cast %get3A_285 : i32 to index
      %get3A_287 = arith.index_cast %add3A_284 : i32 to index
      %get3A_288 = tpu.vector_load %arg9[%get3A_286, %get3A_287] {strides = array<i32>} : memref<4x3200xf32, #tpu.memory_space<vmem>>, vector<16xf32>,
      %add3A_289 = arith.addf %add3A_282, %get3A_288 : vector<16xf32>
      %reduce_sum3A = arith.constant true
      %reduce_sum3A_290 = vector.broadcast %reduce_sum3A : i1 to vector<16xi1>
      %reduce_sum3A_291 = tpu.scan <sum>, %add3A_203 masked %reduce_sum3A_290 : vector<16xf32>, vector<16xi1> -> vector<16xf32>
      %reduce_sum3A_292 = vector.extract %reduce_sum3A_291[15] : f32 from vector<16xf32>
      %broadcast_in_dim3A_293 = vector.broadcast %reduce_sum3A_292 : f32 to vector<16xf32>
      %reduce_sum3A_294 = arith.constant true
      %reduce_sum3A_295 = vector.broadcast %reduce_sum3A_294 : i1 to vector<16xi1>
      %reduce_sum3A_296 = tpu.scan <sum>, %add3A_289 masked %reduce_sum3A_295 : vector<16xf32>, vector<16xi1> -> vector<16xf32>
      %reduce_sum3A_297 = vector.extract %reduce_sum3A_296[15] : f32 from vector<16xf32>
      %broadcast_in_dim3A_298 = vector.broadcast %reduce_sum3A_297 : f32 to vector<16xf32>
      %mul3A_299 = arith.constant 2 : i32
      %mul3A_300 = arith.muli %mul3A_299, %scan3A_100 : i32
      %broadcast_in_dim3A_301 = vector.broadcast %mul3A_300 : i32 to vector<16xi32>
      %sub3A_302 = arith.subi %iota3A, %broadcast_in_dim3A_301 : vector<16xi32>
      %mul3A_303 = arith.muli %sub3A_302, %sub3A_302 : vector<16xi32>
      %min3A_304 = arith.minsi %mul3A_303, %broadcast_in_dim3A_49 : vector<16xi32>
      %sub3A_305 = arith.subi %broadcast_in_dim3A_49, %min3A_304 : vector<16xi32>
      %convert_element_type3A_306 = arith.sitofp %sub3A_305 : vector<16xi32> to vector<16xf32>
      %mul3A_307 = arith.mulf %broadcast_in_dim3A_293, %convert_element_type3A_306 : vector<16xf32>
      %add3A_308 = arith.addf %scan3A_101, %mul3A_307 : vector<16xf32>
      %mul3A_309 = arith.constant 2 : i32
      %mul3A_310 = arith.muli %mul3A_309, %scan3A_100 : i32
      %add3A_311 = arith.constant 1 : i32
      %add3A_312 = arith.addi %mul3A_310, %add3A_311 : i32
      %broadcast_in_dim3A_313 = vector.broadcast %add3A_312 : i32 to vector<16xi32>
      %sub3A_314 = arith.subi %iota3A, %broadcast_in_dim3A_313 : vector<16xi32>
      %mul3A_315 = arith.muli %sub3A_314, %sub3A_314 : vector<16xi32>
      %min3A_316 = arith.minsi %mul3A_315, %broadcast_in_dim3A_49 : vector<16xi32>
      %sub3A_317 = arith.subi %broadcast_in_dim3A_49, %min3A_316 : vector<16xi32>
      %convert_element_type3A_318 = arith.sitofp %sub3A_317 : vector<16xi32> to vector<16xf32>
      %mul3A_319 = arith.mulf %broadcast_in_dim3A_298, %convert_element_type3A_318 : vector<16xf32>
      %add3A_320 = arith.addf %add3A_308, %mul3A_319 : vector<16xf32>
      %broadcast_in_dim3A_321 = arith.constant 0.000000e+00 : f32
      %broadcast_in_dim3A_322 = vector.broadcast %broadcast_in_dim3A_321 : f32 to vector<16xf32>
      %broadcast_in_dim3A_323 = arith.constant 0.000000e+00 : f32
      %broadcast_in_dim3A_324 = vector.broadcast %broadcast_in_dim3A_323 : f32 to vector<16xf32>
      %add3A_325 = arith.constant 0 : i32
      %add3A_326 = arith.addi %mul3A_108, %add3A_325 : i32
      %get3A_327 = arith.constant 1 : i32
      %get3A_328 = arith.index_cast %get3A_327 : i32 to index
      %get3A_329 = arith.index_cast %add3A_326 : i32 to index
      %get3A_330 = tpu.vector_load %arg9[%get3A_328, %get3A_329] {strides = array<i32>} : memref<4x3200xf32, #tpu.memory_space<vmem>>, vector<16xf32>,
      %add3A_331 = arith.addf %broadcast_in_dim3A_322, %get3A_330 : vector<16xf32>
      %add3A_332 = arith.constant 16 : i32
      %add3A_333 = arith.addi %mul3A_108, %add3A_332 : i32
      %get3A_334 = arith.constant 1 : i32
      %get3A_335 = arith.index_cast %get3A_334 : i32 to index
      %get3A_336 = arith.index_cast %add3A_333 : i32 to index
      %get3A_337 = tpu.vector_load %arg9[%get3A_335, %get3A_336] {strides = array<i32>} : memref<4x3200xf32, #tpu.memory_space<vmem>>, vector<16xf32>,
      %add3A_338 = arith.addf %add3A_331, %get3A_337 : vector<16xf32>
      %add3A_339 = arith.constant 32 : i32
      %add3A_340 = arith.addi %mul3A_108, %add3A_339 : i32
      %get3A_341 = arith.constant 1 : i32
      %get3A_342 = arith.index_cast %get3A_341 : i32 to index
      %get3A_343 = arith.index_cast %add3A_340 : i32 to index
      %get3A_344 = tpu.vector_load %arg9[%get3A_342, %get3A_343] {strides = array<i32>} : memref<4x3200xf32, #tpu.memory_space<vmem>>, vector<16xf32>,
      %add3A_345 = arith.addf %add3A_338, %get3A_344 : vector<16xf32>
      %add3A_346 = arith.constant 48 : i32
      %add3A_347 = arith.addi %mul3A_108, %add3A_346 : i32
      %get3A_348 = arith.constant 1 : i32
      %get3A_349 = arith.index_cast %get3A_348 : i32 to index
      %get3A_350 = arith.index_cast %add3A_347 : i32 to index
      %get3A_351 = tpu.vector_load %arg9[%get3A_349, %get3A_350] {strides = array<i32>} : memref<4x3200xf32, #tpu.memory_space<vmem>>, vector<16xf32>,
      %add3A_352 = arith.addf %add3A_345, %get3A_351 : vector<16xf32>
      %add3A_353 = arith.constant 64 : i32
      %add3A_354 = arith.addi %mul3A_108, %add3A_353 : i32
      %get3A_355 = arith.constant 1 : i32
      %get3A_356 = arith.index_cast %get3A_355 : i32 to index
      %get3A_357 = arith.index_cast %add3A_354 : i32 to index
      %get3A_358 = tpu.vector_load %arg9[%get3A_356, %get3A_357] {strides = array<i32>} : memref<4x3200xf32, #tpu.memory_space<vmem>>, vector<16xf32>,
      %add3A_359 = arith.addf %add3A_352, %get3A_358 : vector<16xf32>
      %add3A_360 = arith.constant 80 : i32
      %add3A_361 = arith.addi %mul3A_108, %add3A_360 : i32
      %get3A_362 = arith.constant 1 : i32
      %get3A_363 = arith.index_cast %get3A_362 : i32 to index
      %get3A_364 = arith.index_cast %add3A_361 : i32 to index
      %get3A_365 = tpu.vector_load %arg9[%get3A_363, %get3A_364] {strides = array<i32>} : memref<4x3200xf32, #tpu.memory_space<vmem>>, vector<16xf32>,
      %add3A_366 = arith.addf %add3A_359, %get3A_365 : vector<16xf32>
      %add3A_367 = arith.constant 96 : i32
      %add3A_368 = arith.addi %mul3A_108, %add3A_367 : i32
      %get3A_369 = arith.constant 1 : i32
      %get3A_370 = arith.index_cast %get3A_369 : i32 to index
      %get3A_371 = arith.index_cast %add3A_368 : i32 to index
      %get3A_372 = tpu.vector_load %arg9[%get3A_370, %get3A_371] {strides = array<i32>} : memref<4x3200xf32, #tpu.memory_space<vmem>>, vector<16xf32>,
      %add3A_373 = arith.addf %add3A_366, %get3A_372 : vector<16xf32>
      %add3A_374 = arith.constant 112 : i32
      %add3A_375 = arith.addi %mul3A_108, %add3A_374 : i32
      %get3A_376 = arith.constant 1 : i32
      %get3A_377 = arith.index_cast %get3A_376 : i32 to index
      %get3A_378 = arith.index_cast %add3A_375 : i32 to index
      %get3A_379 = tpu.vector_load %arg9[%get3A_377, %get3A_378] {strides = array<i32>} : memref<4x3200xf32, #tpu.memory_space<vmem>>, vector<16xf32>,
      %add3A_380 = arith.addf %add3A_373, %get3A_379 : vector<16xf32>
      %add3A_381 = arith.constant 128 : i32
      %add3A_382 = arith.addi %mul3A_108, %add3A_381 : i32
      %get3A_383 = arith.constant 1 : i32
      %get3A_384 = arith.index_cast %get3A_383 : i32 to index
      %get3A_385 = arith.index_cast %add3A_382 : i32 to index
      %get3A_386 = tpu.vector_load %arg9[%get3A_384, %get3A_385] {strides = array<i32>} : memref<4x3200xf32, #tpu.memory_space<vmem>>, vector<16xf32>,
      %add3A_387 = arith.addf %add3A_380, %get3A_386 : vector<16xf32>
      %add3A_388 = arith.constant 144 : i32
      %add3A_389 = arith.addi %mul3A_108, %add3A_388 : i32
      %get3A_390 = arith.constant 1 : i32
      %get3A_391 = arith.index_cast %get3A_390 : i32 to index
      %get3A_392 = arith.index_cast %add3A_389 : i32 to index
      %get3A_393 = tpu.vector_load %arg9[%get3A_391, %get3A_392] {strides = array<i32>} : memref<4x3200xf32, #tpu.memory_space<vmem>>, vector<16xf32>,
      %add3A_394 = arith.addf %add3A_387, %get3A_393 : vector<16xf32>
      %add3A_395 = arith.constant 160 : i32
      %add3A_396 = arith.addi %mul3A_108, %add3A_395 : i32
      %get3A_397 = arith.constant 1 : i32
      %get3A_398 = arith.index_cast %get3A_397 : i32 to index
      %get3A_399 = arith.index_cast %add3A_396 : i32 to index
      %get3A_400 = tpu.vector_load %arg9[%get3A_398, %get3A_399] {strides = array<i32>} : memref<4x3200xf32, #tpu.memory_space<vmem>>, vector<16xf32>,
      %add3A_401 = arith.addf %add3A_394, %get3A_400 : vector<16xf32>
      %add3A_402 = arith.constant 176 : i32
      %add3A_403 = arith.addi %mul3A_108, %add3A_402 : i32
      %get3A_404 = arith.constant 1 : i32
      %get3A_405 = arith.index_cast %get3A_404 : i32 to index
      %get3A_406 = arith.index_cast %add3A_403 : i32 to index
      %get3A_407 = tpu.vector_load %arg9[%get3A_405, %get3A_406] {strides = array<i32>} : memref<4x3200xf32, #tpu.memory_space<vmem>>, vector<16xf32>,
      %add3A_408 = arith.addf %add3A_401, %get3A_407 : vector<16xf32>
      %add3A_409 = arith.constant 192 : i32
      %add3A_410 = arith.addi %mul3A_108, %add3A_409 : i32
      %get3A_411 = arith.constant 1 : i32
      %get3A_412 = arith.index_cast %get3A_411 : i32 to index
      %get3A_413 = arith.index_cast %add3A_410 : i32 to index
      %get3A_414 = tpu.vector_load %arg9[%get3A_412, %get3A_413] {strides = array<i32>} : memref<4x3200xf32, #tpu.memory_space<vmem>>, vector<16xf32>,
      %mul3A_415 = arith.mulf %get3A_414, %convert_element_type3A : vector<16xf32>
      %add3A_416 = arith.addf %add3A_408, %mul3A_415 : vector<16xf32>
      %mul3A_417 = arith.mulf %get3A_414, %sub3A_56 : vector<16xf32>
      %add3A_418 = arith.addf %broadcast_in_dim3A_324, %mul3A_417 : vector<16xf32>
      %add3A_419 = arith.constant 208 : i32
      %add3A_420 = arith.addi %mul3A_108, %add3A_419 : i32
      %get3A_421 = arith.constant 1 : i32
      %get3A_422 = arith.index_cast %get3A_421 : i32 to index
      %get3A_423 = arith.index_cast %add3A_420 : i32 to index
      %get3A_424 = tpu.vector_load %arg9[%get3A_422, %get3A_423] {strides = array<i32>} : memref<4x3200xf32, #tpu.memory_space<vmem>>, vector<16xf32>,
      %add3A_425 = arith.addf %add3A_418, %get3A_424 : vector<16xf32>
      %add3A_426 = arith.constant 224 : i32
      %add3A_427 = arith.addi %mul3A_108, %add3A_426 : i32
      %get3A_428 = arith.constant 1 : i32
      %get3A_429 = arith.index_cast %get3A_428 : i32 to index
      %get3A_430 = arith.index_cast %add3A_427 : i32 to index
      %get3A_431 = tpu.vector_load %arg9[%get3A_429, %get3A_430] {strides = array<i32>} : memref<4x3200xf32, #tpu.memory_space<vmem>>, vector<16xf32>,
      %add3A_432 = arith.addf %add3A_425, %get3A_431 : vector<16xf32>
      %add3A_433 = arith.constant 240 : i32
      %add3A_434 = arith.addi %mul3A_108, %add3A_433 : i32
      %get3A_435 = arith.constant 1 : i32
      %get3A_436 = arith.index_cast %get3A_435 : i32 to index
      %get3A_437 = arith.index_cast %add3A_434 : i32 to index
      %get3A_438 = tpu.vector_load %arg9[%get3A_436, %get3A_437] {strides = array<i32>} : memref<4x3200xf32, #tpu.memory_space<vmem>>, vector<16xf32>,
      %add3A_439 = arith.addf %add3A_432, %get3A_438 : vector<16xf32>
      %add3A_440 = arith.constant 256 : i32
      %add3A_441 = arith.addi %mul3A_108, %add3A_440 : i32
      %get3A_442 = arith.constant 1 : i32
      %get3A_443 = arith.index_cast %get3A_442 : i32 to index
      %get3A_444 = arith.index_cast %add3A_441 : i32 to index
      %get3A_445 = tpu.vector_load %arg9[%get3A_443, %get3A_444] {strides = array<i32>} : memref<4x3200xf32, #tpu.memory_space<vmem>>, vector<16xf32>,
      %add3A_446 = arith.addf %add3A_439, %get3A_445 : vector<16xf32>
      %add3A_447 = arith.constant 272 : i32
      %add3A_448 = arith.addi %mul3A_108, %add3A_447 : i32
      %get3A_449 = arith.constant 1 : i32
      %get3A_450 = arith.index_cast %get3A_449 : i32 to index
      %get3A_451 = arith.index_cast %add3A_448 : i32 to index
      %get3A_452 = tpu.vector_load %arg9[%get3A_450, %get3A_451] {strides = array<i32>} : memref<4x3200xf32, #tpu.memory_space<vmem>>, vector<16xf32>,
      %add3A_453 = arith.addf %add3A_446, %get3A_452 : vector<16xf32>
      %add3A_454 = arith.constant 288 : i32
      %add3A_455 = arith.addi %mul3A_108, %add3A_454 : i32
      %get3A_456 = arith.constant 1 : i32
      %get3A_457 = arith.index_cast %get3A_456 : i32 to index
      %get3A_458 = arith.index_cast %add3A_455 : i32 to index
      %get3A_459 = tpu.vector_load %arg9[%get3A_457, %get3A_458] {strides = array<i32>} : memref<4x3200xf32, #tpu.memory_space<vmem>>, vector<16xf32>,
      %add3A_460 = arith.addf %add3A_453, %get3A_459 : vector<16xf32>
      %add3A_461 = arith.constant 304 : i32
      %add3A_462 = arith.addi %mul3A_108, %add3A_461 : i32
      %get3A_463 = arith.constant 1 : i32
      %get3A_464 = arith.index_cast %get3A_463 : i32 to index
      %get3A_465 = arith.index_cast %add3A_462 : i32 to index
      %get3A_466 = tpu.vector_load %arg9[%get3A_464, %get3A_465] {strides = array<i32>} : memref<4x3200xf32, #tpu.memory_space<vmem>>, vector<16xf32>,
      %add3A_467 = arith.addf %add3A_460, %get3A_466 : vector<16xf32>
      %add3A_468 = arith.constant 320 : i32
      %add3A_469 = arith.addi %mul3A_108, %add3A_468 : i32
      %get3A_470 = arith.constant 1 : i32
      %get3A_471 = arith.index_cast %get3A_470 : i32 to index
      %get3A_472 = arith.index_cast %add3A_469 : i32 to index
      %get3A_473 = tpu.vector_load %arg9[%get3A_471, %get3A_472] {strides = array<i32>} : memref<4x3200xf32, #tpu.memory_space<vmem>>, vector<16xf32>,
      %add3A_474 = arith.addf %add3A_467, %get3A_473 : vector<16xf32>
      %add3A_475 = arith.constant 336 : i32
      %add3A_476 = arith.addi %mul3A_108, %add3A_475 : i32
      %get3A_477 = arith.constant 1 : i32
      %get3A_478 = arith.index_cast %get3A_477 : i32 to index
      %get3A_479 = arith.index_cast %add3A_476 : i32 to index
      %get3A_480 = tpu.vector_load %arg9[%get3A_478, %get3A_479] {strides = array<i32>} : memref<4x3200xf32, #tpu.memory_space<vmem>>, vector<16xf32>,
      %add3A_481 = arith.addf %add3A_474, %get3A_480 : vector<16xf32>
      %add3A_482 = arith.constant 352 : i32
      %add3A_483 = arith.addi %mul3A_108, %add3A_482 : i32
      %get3A_484 = arith.constant 1 : i32
      %get3A_485 = arith.index_cast %get3A_484 : i32 to index
      %get3A_486 = arith.index_cast %add3A_483 : i32 to index
      %get3A_487 = tpu.vector_load %arg9[%get3A_485, %get3A_486] {strides = array<i32>} : memref<4x3200xf32, #tpu.memory_space<vmem>>, vector<16xf32>,
      %add3A_488 = arith.addf %add3A_481, %get3A_487 : vector<16xf32>
      %add3A_489 = arith.constant 368 : i32
      %add3A_490 = arith.addi %mul3A_108, %add3A_489 : i32
      %get3A_491 = arith.constant 1 : i32
      %get3A_492 = arith.index_cast %get3A_491 : i32 to index
      %get3A_493 = arith.index_cast %add3A_490 : i32 to index
      %get3A_494 = tpu.vector_load %arg9[%get3A_492, %get3A_493] {strides = array<i32>} : memref<4x3200xf32, #tpu.memory_space<vmem>>, vector<16xf32>,
      %add3A_495 = arith.addf %add3A_488, %get3A_494 : vector<16xf32>
      %add3A_496 = arith.constant 384 : i32
      %add3A_497 = arith.addi %mul3A_108, %add3A_496 : i32
      %get3A_498 = arith.constant 1 : i32
      %get3A_499 = arith.index_cast %get3A_498 : i32 to index
      %get3A_500 = arith.index_cast %add3A_497 : i32 to index
      %get3A_501 = tpu.vector_load %arg9[%get3A_499, %get3A_500] {strides = array<i32>} : memref<4x3200xf32, #tpu.memory_space<vmem>>, vector<16xf32>,
      %add3A_502 = arith.addf %add3A_495, %get3A_501 : vector<16xf32>
      %reduce_sum3A_503 = arith.constant true
      %reduce_sum3A_504 = vector.broadcast %reduce_sum3A_503 : i1 to vector<16xi1>
      %reduce_sum3A_505 = tpu.scan <sum>, %add3A_416 masked %reduce_sum3A_504 : vector<16xf32>, vector<16xi1> -> vector<16xf32>
      %reduce_sum3A_506 = vector.extract %reduce_sum3A_505[15] : f32 from vector<16xf32>
      %broadcast_in_dim3A_507 = vector.broadcast %reduce_sum3A_506 : f32 to vector<16xf32>
      %reduce_sum3A_508 = arith.constant true
      %reduce_sum3A_509 = vector.broadcast %reduce_sum3A_508 : i1 to vector<16xi1>
      %reduce_sum3A_510 = tpu.scan <sum>, %add3A_502 masked %reduce_sum3A_509 : vector<16xf32>, vector<16xi1> -> vector<16xf32>
      %reduce_sum3A_511 = vector.extract %reduce_sum3A_510[15] : f32 from vector<16xf32>
      %broadcast_in_dim3A_512 = vector.broadcast %reduce_sum3A_511 : f32 to vector<16xf32>
      %mul3A_513 = arith.constant 2 : i32
      %mul3A_514 = arith.muli %mul3A_513, %scan3A_100 : i32
      %broadcast_in_dim3A_515 = vector.broadcast %mul3A_514 : i32 to vector<16xi32>
      %sub3A_516 = arith.subi %iota3A, %broadcast_in_dim3A_515 : vector<16xi32>
      %mul3A_517 = arith.muli %sub3A_516, %sub3A_516 : vector<16xi32>
      %min3A_518 = arith.minsi %mul3A_517, %broadcast_in_dim3A_49 : vector<16xi32>
      %sub3A_519 = arith.subi %broadcast_in_dim3A_49, %min3A_518 : vector<16xi32>
      %convert_element_type3A_520 = arith.sitofp %sub3A_519 : vector<16xi32> to vector<16xf32>
      %mul3A_521 = arith.mulf %broadcast_in_dim3A_507, %convert_element_type3A_520 : vector<16xf32>
      %add3A_522 = arith.addf %scan3A_102, %mul3A_521 : vector<16xf32>
      %mul3A_523 = arith.constant 2 : i32
      %mul3A_524 = arith.muli %mul3A_523, %scan3A_100 : i32
      %add3A_525 = arith.constant 1 : i32
      %add3A_526 = arith.addi %mul3A_524, %add3A_525 : i32
      %broadcast_in_dim3A_527 = vector.broadcast %add3A_526 : i32 to vector<16xi32>
      %sub3A_528 = arith.subi %iota3A, %broadcast_in_dim3A_527 : vector<16xi32>
      %mul3A_529 = arith.muli %sub3A_528, %sub3A_528 : vector<16xi32>
      %min3A_530 = arith.minsi %mul3A_529, %broadcast_in_dim3A_49 : vector<16xi32>
      %sub3A_531 = arith.subi %broadcast_in_dim3A_49, %min3A_530 : vector<16xi32>
      %convert_element_type3A_532 = arith.sitofp %sub3A_531 : vector<16xi32> to vector<16xf32>
      %mul3A_533 = arith.mulf %broadcast_in_dim3A_512, %convert_element_type3A_532 : vector<16xf32>
      %add3A_534 = arith.addf %add3A_522, %mul3A_533 : vector<16xf32>
      %broadcast_in_dim3A_535 = arith.constant 0.000000e+00 : f32
      %broadcast_in_dim3A_536 = vector.broadcast %broadcast_in_dim3A_535 : f32 to vector<16xf32>
      %broadcast_in_dim3A_537 = arith.constant 0.000000e+00 : f32
      %broadcast_in_dim3A_538 = vector.broadcast %broadcast_in_dim3A_537 : f32 to vector<16xf32>
      %add3A_539 = arith.constant 0 : i32
      %add3A_540 = arith.addi %mul3A_108, %add3A_539 : i32
      %get3A_541 = arith.constant 2 : i32
      %get3A_542 = arith.index_cast %get3A_541 : i32 to index
      %get3A_543 = arith.index_cast %add3A_540 : i32 to index
      %get3A_544 = tpu.vector_load %arg9[%get3A_542, %get3A_543] {strides = array<i32>} : memref<4x3200xf32, #tpu.memory_space<vmem>>, vector<16xf32>,
      %add3A_545 = arith.addf %broadcast_in_dim3A_536, %get3A_544 : vector<16xf32>
      %add3A_546 = arith.constant 16 : i32
      %add3A_547 = arith.addi %mul3A_108, %add3A_546 : i32
      %get3A_548 = arith.constant 2 : i32
      %get3A_549 = arith.index_cast %get3A_548 : i32 to index
      %get3A_550 = arith.index_cast %add3A_547 : i32 to index
      %get3A_551 = tpu.vector_load %arg9[%get3A_549, %get3A_550] {strides = array<i32>} : memref<4x3200xf32, #tpu.memory_space<vmem>>, vector<16xf32>,
      %add3A_552 = arith.addf %add3A_545, %get3A_551 : vector<16xf32>
      %add3A_553 = arith.constant 32 : i32
      %add3A_554 = arith.addi %mul3A_108, %add3A_553 : i32
      %get3A_555 = arith.constant 2 : i32
      %get3A_556 = arith.index_cast %get3A_555 : i32 to index
      %get3A_557 = arith.index_cast %add3A_554 : i32 to index
      %get3A_558 = tpu.vector_load %arg9[%get3A_556, %get3A_557] {strides = array<i32>} : memref<4x3200xf32, #tpu.memory_space<vmem>>, vector<16xf32>,
      %add3A_559 = arith.addf %add3A_552, %get3A_558 : vector<16xf32>
      %add3A_560 = arith.constant 48 : i32
      %add3A_561 = arith.addi %mul3A_108, %add3A_560 : i32
      %get3A_562 = arith.constant 2 : i32
      %get3A_563 = arith.index_cast %get3A_562 : i32 to index
      %get3A_564 = arith.index_cast %add3A_561 : i32 to index
      %get3A_565 = tpu.vector_load %arg9[%get3A_563, %get3A_564] {strides = array<i32>} : memref<4x3200xf32, #tpu.memory_space<vmem>>, vector<16xf32>,
      %add3A_566 = arith.addf %add3A_559, %get3A_565 : vector<16xf32>
      %add3A_567 = arith.constant 64 : i32
      %add3A_568 = arith.addi %mul3A_108, %add3A_567 : i32
      %get3A_569 = arith.constant 2 : i32
      %get3A_570 = arith.index_cast %get3A_569 : i32 to index
      %get3A_571 = arith.index_cast %add3A_568 : i32 to index
      %get3A_572 = tpu.vector_load %arg9[%get3A_570, %get3A_571] {strides = array<i32>} : memref<4x3200xf32, #tpu.memory_space<vmem>>, vector<16xf32>,
      %add3A_573 = arith.addf %add3A_566, %get3A_572 : vector<16xf32>
      %add3A_574 = arith.constant 80 : i32
      %add3A_575 = arith.addi %mul3A_108, %add3A_574 : i32
      %get3A_576 = arith.constant 2 : i32
      %get3A_577 = arith.index_cast %get3A_576 : i32 to index
      %get3A_578 = arith.index_cast %add3A_575 : i32 to index
      %get3A_579 = tpu.vector_load %arg9[%get3A_577, %get3A_578] {strides = array<i32>} : memref<4x3200xf32, #tpu.memory_space<vmem>>, vector<16xf32>,
      %add3A_580 = arith.addf %add3A_573, %get3A_579 : vector<16xf32>
      %add3A_581 = arith.constant 96 : i32
      %add3A_582 = arith.addi %mul3A_108, %add3A_581 : i32
      %get3A_583 = arith.constant 2 : i32
      %get3A_584 = arith.index_cast %get3A_583 : i32 to index
      %get3A_585 = arith.index_cast %add3A_582 : i32 to index
      %get3A_586 = tpu.vector_load %arg9[%get3A_584, %get3A_585] {strides = array<i32>} : memref<4x3200xf32, #tpu.memory_space<vmem>>, vector<16xf32>,
      %add3A_587 = arith.addf %add3A_580, %get3A_586 : vector<16xf32>
      %add3A_588 = arith.constant 112 : i32
      %add3A_589 = arith.addi %mul3A_108, %add3A_588 : i32
      %get3A_590 = arith.constant 2 : i32
      %get3A_591 = arith.index_cast %get3A_590 : i32 to index
      %get3A_592 = arith.index_cast %add3A_589 : i32 to index
      %get3A_593 = tpu.vector_load %arg9[%get3A_591, %get3A_592] {strides = array<i32>} : memref<4x3200xf32, #tpu.memory_space<vmem>>, vector<16xf32>,
      %add3A_594 = arith.addf %add3A_587, %get3A_593 : vector<16xf32>
      %add3A_595 = arith.constant 128 : i32
      %add3A_596 = arith.addi %mul3A_108, %add3A_595 : i32
      %get3A_597 = arith.constant 2 : i32
      %get3A_598 = arith.index_cast %get3A_597 : i32 to index
      %get3A_599 = arith.index_cast %add3A_596 : i32 to index
      %get3A_600 = tpu.vector_load %arg9[%get3A_598, %get3A_599] {strides = array<i32>} : memref<4x3200xf32, #tpu.memory_space<vmem>>, vector<16xf32>,
      %add3A_601 = arith.addf %add3A_594, %get3A_600 : vector<16xf32>
      %add3A_602 = arith.constant 144 : i32
      %add3A_603 = arith.addi %mul3A_108, %add3A_602 : i32
      %get3A_604 = arith.constant 2 : i32
      %get3A_605 = arith.index_cast %get3A_604 : i32 to index
      %get3A_606 = arith.index_cast %add3A_603 : i32 to index
      %get3A_607 = tpu.vector_load %arg9[%get3A_605, %get3A_606] {strides = array<i32>} : memref<4x3200xf32, #tpu.memory_space<vmem>>, vector<16xf32>,
      %add3A_608 = arith.addf %add3A_601, %get3A_607 : vector<16xf32>
      %add3A_609 = arith.constant 160 : i32
      %add3A_610 = arith.addi %mul3A_108, %add3A_609 : i32
      %get3A_611 = arith.constant 2 : i32
      %get3A_612 = arith.index_cast %get3A_611 : i32 to index
      %get3A_613 = arith.index_cast %add3A_610 : i32 to index
      %get3A_614 = tpu.vector_load %arg9[%get3A_612, %get3A_613] {strides = array<i32>} : memref<4x3200xf32, #tpu.memory_space<vmem>>, vector<16xf32>,
      %add3A_615 = arith.addf %add3A_608, %get3A_614 : vector<16xf32>
      %add3A_616 = arith.constant 176 : i32
      %add3A_617 = arith.addi %mul3A_108, %add3A_616 : i32
      %get3A_618 = arith.constant 2 : i32
      %get3A_619 = arith.index_cast %get3A_618 : i32 to index
      %get3A_620 = arith.index_cast %add3A_617 : i32 to index
      %get3A_621 = tpu.vector_load %arg9[%get3A_619, %get3A_620] {strides = array<i32>} : memref<4x3200xf32, #tpu.memory_space<vmem>>, vector<16xf32>,
      %add3A_622 = arith.addf %add3A_615, %get3A_621 : vector<16xf32>
      %add3A_623 = arith.constant 192 : i32
      %add3A_624 = arith.addi %mul3A_108, %add3A_623 : i32
      %get3A_625 = arith.constant 2 : i32
      %get3A_626 = arith.index_cast %get3A_625 : i32 to index
      %get3A_627 = arith.index_cast %add3A_624 : i32 to index
      %get3A_628 = tpu.vector_load %arg9[%get3A_626, %get3A_627] {strides = array<i32>} : memref<4x3200xf32, #tpu.memory_space<vmem>>, vector<16xf32>,
      %mul3A_629 = arith.mulf %get3A_628, %convert_element_type3A : vector<16xf32>
      %add3A_630 = arith.addf %add3A_622, %mul3A_629 : vector<16xf32>
      %mul3A_631 = arith.mulf %get3A_628, %sub3A_56 : vector<16xf32>
      %add3A_632 = arith.addf %broadcast_in_dim3A_538, %mul3A_631 : vector<16xf32>
      %add3A_633 = arith.constant 208 : i32
      %add3A_634 = arith.addi %mul3A_108, %add3A_633 : i32
      %get3A_635 = arith.constant 2 : i32
      %get3A_636 = arith.index_cast %get3A_635 : i32 to index
      %get3A_637 = arith.index_cast %add3A_634 : i32 to index
      %get3A_638 = tpu.vector_load %arg9[%get3A_636, %get3A_637] {strides = array<i32>} : memref<4x3200xf32, #tpu.memory_space<vmem>>, vector<16xf32>,
      %add3A_639 = arith.addf %add3A_632, %get3A_638 : vector<16xf32>
      %add3A_640 = arith.constant 224 : i32
      %add3A_641 = arith.addi %mul3A_108, %add3A_640 : i32
      %get3A_642 = arith.constant 2 : i32
      %get3A_643 = arith.index_cast %get3A_642 : i32 to index
      %get3A_644 = arith.index_cast %add3A_641 : i32 to index
      %get3A_645 = tpu.vector_load %arg9[%get3A_643, %get3A_644] {strides = array<i32>} : memref<4x3200xf32, #tpu.memory_space<vmem>>, vector<16xf32>,
      %add3A_646 = arith.addf %add3A_639, %get3A_645 : vector<16xf32>
      %add3A_647 = arith.constant 240 : i32
      %add3A_648 = arith.addi %mul3A_108, %add3A_647 : i32
      %get3A_649 = arith.constant 2 : i32
      %get3A_650 = arith.index_cast %get3A_649 : i32 to index
      %get3A_651 = arith.index_cast %add3A_648 : i32 to index
      %get3A_652 = tpu.vector_load %arg9[%get3A_650, %get3A_651] {strides = array<i32>} : memref<4x3200xf32, #tpu.memory_space<vmem>>, vector<16xf32>,
      %add3A_653 = arith.addf %add3A_646, %get3A_652 : vector<16xf32>
      %add3A_654 = arith.constant 256 : i32
      %add3A_655 = arith.addi %mul3A_108, %add3A_654 : i32
      %get3A_656 = arith.constant 2 : i32
      %get3A_657 = arith.index_cast %get3A_656 : i32 to index
      %get3A_658 = arith.index_cast %add3A_655 : i32 to index
      %get3A_659 = tpu.vector_load %arg9[%get3A_657, %get3A_658] {strides = array<i32>} : memref<4x3200xf32, #tpu.memory_space<vmem>>, vector<16xf32>,
      %add3A_660 = arith.addf %add3A_653, %get3A_659 : vector<16xf32>
      %add3A_661 = arith.constant 272 : i32
      %add3A_662 = arith.addi %mul3A_108, %add3A_661 : i32
      %get3A_663 = arith.constant 2 : i32
      %get3A_664 = arith.index_cast %get3A_663 : i32 to index
      %get3A_665 = arith.index_cast %add3A_662 : i32 to index
      %get3A_666 = tpu.vector_load %arg9[%get3A_664, %get3A_665] {strides = array<i32>} : memref<4x3200xf32, #tpu.memory_space<vmem>>, vector<16xf32>,
      %add3A_667 = arith.addf %add3A_660, %get3A_666 : vector<16xf32>
      %add3A_668 = arith.constant 288 : i32
      %add3A_669 = arith.addi %mul3A_108, %add3A_668 : i32
      %get3A_670 = arith.constant 2 : i32
      %get3A_671 = arith.index_cast %get3A_670 : i32 to index
      %get3A_672 = arith.index_cast %add3A_669 : i32 to index
      %get3A_673 = tpu.vector_load %arg9[%get3A_671, %get3A_672] {strides = array<i32>} : memref<4x3200xf32, #tpu.memory_space<vmem>>, vector<16xf32>,
      %add3A_674 = arith.addf %add3A_667, %get3A_673 : vector<16xf32>
      %add3A_675 = arith.constant 304 : i32
      %add3A_676 = arith.addi %mul3A_108, %add3A_675 : i32
      %get3A_677 = arith.constant 2 : i32
      %get3A_678 = arith.index_cast %get3A_677 : i32 to index
      %get3A_679 = arith.index_cast %add3A_676 : i32 to index
      %get3A_680 = tpu.vector_load %arg9[%get3A_678, %get3A_679] {strides = array<i32>} : memref<4x3200xf32, #tpu.memory_space<vmem>>, vector<16xf32>,
      %add3A_681 = arith.addf %add3A_674, %get3A_680 : vector<16xf32>
      %add3A_682 = arith.constant 320 : i32
      %add3A_683 = arith.addi %mul3A_108, %add3A_682 : i32
      %get3A_684 = arith.constant 2 : i32
      %get3A_685 = arith.index_cast %get3A_684 : i32 to index
      %get3A_686 = arith.index_cast %add3A_683 : i32 to index
      %get3A_687 = tpu.vector_load %arg9[%get3A_685, %get3A_686] {strides = array<i32>} : memref<4x3200xf32, #tpu.memory_space<vmem>>, vector<16xf32>,
      %add3A_688 = arith.addf %add3A_681, %get3A_687 : vector<16xf32>
      %add3A_689 = arith.constant 336 : i32
      %add3A_690 = arith.addi %mul3A_108, %add3A_689 : i32
      %get3A_691 = arith.constant 2 : i32
      %get3A_692 = arith.index_cast %get3A_691 : i32 to index
      %get3A_693 = arith.index_cast %add3A_690 : i32 to index
      %get3A_694 = tpu.vector_load %arg9[%get3A_692, %get3A_693] {strides = array<i32>} : memref<4x3200xf32, #tpu.memory_space<vmem>>, vector<16xf32>,
      %add3A_695 = arith.addf %add3A_688, %get3A_694 : vector<16xf32>
      %add3A_696 = arith.constant 352 : i32
      %add3A_697 = arith.addi %mul3A_108, %add3A_696 : i32
      %get3A_698 = arith.constant 2 : i32
      %get3A_699 = arith.index_cast %get3A_698 : i32 to index
      %get3A_700 = arith.index_cast %add3A_697 : i32 to index
      %get3A_701 = tpu.vector_load %arg9[%get3A_699, %get3A_700] {strides = array<i32>} : memref<4x3200xf32, #tpu.memory_space<vmem>>, vector<16xf32>,
      %add3A_702 = arith.addf %add3A_695, %get3A_701 : vector<16xf32>
      %add3A_703 = arith.constant 368 : i32
      %add3A_704 = arith.addi %mul3A_108, %add3A_703 : i32
      %get3A_705 = arith.constant 2 : i32
      %get3A_706 = arith.index_cast %get3A_705 : i32 to index
      %get3A_707 = arith.index_cast %add3A_704 : i32 to index
      %get3A_708 = tpu.vector_load %arg9[%get3A_706, %get3A_707] {strides = array<i32>} : memref<4x3200xf32, #tpu.memory_space<vmem>>, vector<16xf32>,
      %add3A_709 = arith.addf %add3A_702, %get3A_708 : vector<16xf32>
      %add3A_710 = arith.constant 384 : i32
      %add3A_711 = arith.addi %mul3A_108, %add3A_710 : i32
      %get3A_712 = arith.constant 2 : i32
      %get3A_713 = arith.index_cast %get3A_712 : i32 to index
      %get3A_714 = arith.index_cast %add3A_711 : i32 to index
      %get3A_715 = tpu.vector_load %arg9[%get3A_713, %get3A_714] {strides = array<i32>} : memref<4x3200xf32, #tpu.memory_space<vmem>>, vector<16xf32>,
      %add3A_716 = arith.addf %add3A_709, %get3A_715 : vector<16xf32>
      %reduce_sum3A_717 = arith.constant true
      %reduce_sum3A_718 = vector.broadcast %reduce_sum3A_717 : i1 to vector<16xi1>
      %reduce_sum3A_719 = tpu.scan <sum>, %add3A_630 masked %reduce_sum3A_718 : vector<16xf32>, vector<16xi1> -> vector<16xf32>
      %reduce_sum3A_720 = vector.extract %reduce_sum3A_719[15] : f32 from vector<16xf32>
      %broadcast_in_dim3A_721 = vector.broadcast %reduce_sum3A_720 : f32 to vector<16xf32>
      %reduce_sum3A_722 = arith.constant true
      %reduce_sum3A_723 = vector.broadcast %reduce_sum3A_722 : i1 to vector<16xi1>
      %reduce_sum3A_724 = tpu.scan <sum>, %add3A_716 masked %reduce_sum3A_723 : vector<16xf32>, vector<16xi1> -> vector<16xf32>
      %reduce_sum3A_725 = vector.extract %reduce_sum3A_724[15] : f32 from vector<16xf32>
      %broadcast_in_dim3A_726 = vector.broadcast %reduce_sum3A_725 : f32 to vector<16xf32>
      %mul3A_727 = arith.constant 2 : i32
      %mul3A_728 = arith.muli %mul3A_727, %scan3A_100 : i32
      %broadcast_in_dim3A_729 = vector.broadcast %mul3A_728 : i32 to vector<16xi32>
      %sub3A_730 = arith.subi %iota3A, %broadcast_in_dim3A_729 : vector<16xi32>
      %mul3A_731 = arith.muli %sub3A_730, %sub3A_730 : vector<16xi32>
      %min3A_732 = arith.minsi %mul3A_731, %broadcast_in_dim3A_49 : vector<16xi32>
      %sub3A_733 = arith.subi %broadcast_in_dim3A_49, %min3A_732 : vector<16xi32>
      %convert_element_type3A_734 = arith.sitofp %sub3A_733 : vector<16xi32> to vector<16xf32>
      %mul3A_735 = arith.mulf %broadcast_in_dim3A_721, %convert_element_type3A_734 : vector<16xf32>
      %add3A_736 = arith.addf %scan3A_103, %mul3A_735 : vector<16xf32>
      %mul3A_737 = arith.constant 2 : i32
      %mul3A_738 = arith.muli %mul3A_737, %scan3A_100 : i32
      %add3A_739 = arith.constant 1 : i32
      %add3A_740 = arith.addi %mul3A_738, %add3A_739 : i32
      %broadcast_in_dim3A_741 = vector.broadcast %add3A_740 : i32 to vector<16xi32>
      %sub3A_742 = arith.subi %iota3A, %broadcast_in_dim3A_741 : vector<16xi32>
      %mul3A_743 = arith.muli %sub3A_742, %sub3A_742 : vector<16xi32>
      %min3A_744 = arith.minsi %mul3A_743, %broadcast_in_dim3A_49 : vector<16xi32>
      %sub3A_745 = arith.subi %broadcast_in_dim3A_49, %min3A_744 : vector<16xi32>
      %convert_element_type3A_746 = arith.sitofp %sub3A_745 : vector<16xi32> to vector<16xf32>
      %mul3A_747 = arith.mulf %broadcast_in_dim3A_726, %convert_element_type3A_746 : vector<16xf32>
      %add3A_748 = arith.addf %add3A_736, %mul3A_747 : vector<16xf32>
      %broadcast_in_dim3A_749 = arith.constant 0.000000e+00 : f32
      %broadcast_in_dim3A_750 = vector.broadcast %broadcast_in_dim3A_749 : f32 to vector<16xf32>
      %broadcast_in_dim3A_751 = arith.constant 0.000000e+00 : f32
      %broadcast_in_dim3A_752 = vector.broadcast %broadcast_in_dim3A_751 : f32 to vector<16xf32>
      %add3A_753 = arith.constant 0 : i32
      %add3A_754 = arith.addi %mul3A_108, %add3A_753 : i32
      %get3A_755 = arith.constant 3 : i32
      %get3A_756 = arith.index_cast %get3A_755 : i32 to index
      %get3A_757 = arith.index_cast %add3A_754 : i32 to index
      %get3A_758 = tpu.vector_load %arg9[%get3A_756, %get3A_757] {strides = array<i32>} : memref<4x3200xf32, #tpu.memory_space<vmem>>, vector<16xf32>,
      %add3A_759 = arith.addf %broadcast_in_dim3A_750, %get3A_758 : vector<16xf32>
      %add3A_760 = arith.constant 16 : i32
      %add3A_761 = arith.addi %mul3A_108, %add3A_760 : i32
      %get3A_762 = arith.constant 3 : i32
      %get3A_763 = arith.index_cast %get3A_762 : i32 to index
      %get3A_764 = arith.index_cast %add3A_761 : i32 to index
      %get3A_765 = tpu.vector_load %arg9[%get3A_763, %get3A_764] {strides = array<i32>} : memref<4x3200xf32, #tpu.memory_space<vmem>>, vector<16xf32>,
      %add3A_766 = arith.addf %add3A_759, %get3A_765 : vector<16xf32>
      %add3A_767 = arith.constant 32 : i32
      %add3A_768 = arith.addi %mul3A_108, %add3A_767 : i32
      %get3A_769 = arith.constant 3 : i32
      %get3A_770 = arith.index_cast %get3A_769 : i32 to index
      %get3A_771 = arith.index_cast %add3A_768 : i32 to index
      %get3A_772 = tpu.vector_load %arg9[%get3A_770, %get3A_771] {strides = array<i32>} : memref<4x3200xf32, #tpu.memory_space<vmem>>, vector<16xf32>,
      %add3A_773 = arith.addf %add3A_766, %get3A_772 : vector<16xf32>
      %add3A_774 = arith.constant 48 : i32
      %add3A_775 = arith.addi %mul3A_108, %add3A_774 : i32
      %get3A_776 = arith.constant 3 : i32
      %get3A_777 = arith.index_cast %get3A_776 : i32 to index
      %get3A_778 = arith.index_cast %add3A_775 : i32 to index
      %get3A_779 = tpu.vector_load %arg9[%get3A_777, %get3A_778] {strides = array<i32>} : memref<4x3200xf32, #tpu.memory_space<vmem>>, vector<16xf32>,
      %add3A_780 = arith.addf %add3A_773, %get3A_779 : vector<16xf32>
      %add3A_781 = arith.constant 64 : i32
      %add3A_782 = arith.addi %mul3A_108, %add3A_781 : i32
      %get3A_783 = arith.constant 3 : i32
      %get3A_784 = arith.index_cast %get3A_783 : i32 to index
      %get3A_785 = arith.index_cast %add3A_782 : i32 to index
      %get3A_786 = tpu.vector_load %arg9[%get3A_784, %get3A_785] {strides = array<i32>} : memref<4x3200xf32, #tpu.memory_space<vmem>>, vector<16xf32>,
      %add3A_787 = arith.addf %add3A_780, %get3A_786 : vector<16xf32>
      %add3A_788 = arith.constant 80 : i32
      %add3A_789 = arith.addi %mul3A_108, %add3A_788 : i32
      %get3A_790 = arith.constant 3 : i32
      %get3A_791 = arith.index_cast %get3A_790 : i32 to index
      %get3A_792 = arith.index_cast %add3A_789 : i32 to index
      %get3A_793 = tpu.vector_load %arg9[%get3A_791, %get3A_792] {strides = array<i32>} : memref<4x3200xf32, #tpu.memory_space<vmem>>, vector<16xf32>,
      %add3A_794 = arith.addf %add3A_787, %get3A_793 : vector<16xf32>
      %add3A_795 = arith.constant 96 : i32
      %add3A_796 = arith.addi %mul3A_108, %add3A_795 : i32
      %get3A_797 = arith.constant 3 : i32
      %get3A_798 = arith.index_cast %get3A_797 : i32 to index
      %get3A_799 = arith.index_cast %add3A_796 : i32 to index
      %get3A_800 = tpu.vector_load %arg9[%get3A_798, %get3A_799] {strides = array<i32>} : memref<4x3200xf32, #tpu.memory_space<vmem>>, vector<16xf32>,
      %add3A_801 = arith.addf %add3A_794, %get3A_800 : vector<16xf32>
      %add3A_802 = arith.constant 112 : i32
      %add3A_803 = arith.addi %mul3A_108, %add3A_802 : i32
      %get3A_804 = arith.constant 3 : i32
      %get3A_805 = arith.index_cast %get3A_804 : i32 to index
      %get3A_806 = arith.index_cast %add3A_803 : i32 to index
      %get3A_807 = tpu.vector_load %arg9[%get3A_805, %get3A_806] {strides = array<i32>} : memref<4x3200xf32, #tpu.memory_space<vmem>>, vector<16xf32>,
      %add3A_808 = arith.addf %add3A_801, %get3A_807 : vector<16xf32>
      %add3A_809 = arith.constant 128 : i32
      %add3A_810 = arith.addi %mul3A_108, %add3A_809 : i32
      %get3A_811 = arith.constant 3 : i32
      %get3A_812 = arith.index_cast %get3A_811 : i32 to index
      %get3A_813 = arith.index_cast %add3A_810 : i32 to index
      %get3A_814 = tpu.vector_load %arg9[%get3A_812, %get3A_813] {strides = array<i32>} : memref<4x3200xf32, #tpu.memory_space<vmem>>, vector<16xf32>,
      %add3A_815 = arith.addf %add3A_808, %get3A_814 : vector<16xf32>
      %add3A_816 = arith.constant 144 : i32
      %add3A_817 = arith.addi %mul3A_108, %add3A_816 : i32
      %get3A_818 = arith.constant 3 : i32
      %get3A_819 = arith.index_cast %get3A_818 : i32 to index
      %get3A_820 = arith.index_cast %add3A_817 : i32 to index
      %get3A_821 = tpu.vector_load %arg9[%get3A_819, %get3A_820] {strides = array<i32>} : memref<4x3200xf32, #tpu.memory_space<vmem>>, vector<16xf32>,
      %add3A_822 = arith.addf %add3A_815, %get3A_821 : vector<16xf32>
      %add3A_823 = arith.constant 160 : i32
      %add3A_824 = arith.addi %mul3A_108, %add3A_823 : i32
      %get3A_825 = arith.constant 3 : i32
      %get3A_826 = arith.index_cast %get3A_825 : i32 to index
      %get3A_827 = arith.index_cast %add3A_824 : i32 to index
      %get3A_828 = tpu.vector_load %arg9[%get3A_826, %get3A_827] {strides = array<i32>} : memref<4x3200xf32, #tpu.memory_space<vmem>>, vector<16xf32>,
      %add3A_829 = arith.addf %add3A_822, %get3A_828 : vector<16xf32>
      %add3A_830 = arith.constant 176 : i32
      %add3A_831 = arith.addi %mul3A_108, %add3A_830 : i32
      %get3A_832 = arith.constant 3 : i32
      %get3A_833 = arith.index_cast %get3A_832 : i32 to index
      %get3A_834 = arith.index_cast %add3A_831 : i32 to index
      %get3A_835 = tpu.vector_load %arg9[%get3A_833, %get3A_834] {strides = array<i32>} : memref<4x3200xf32, #tpu.memory_space<vmem>>, vector<16xf32>,
      %add3A_836 = arith.addf %add3A_829, %get3A_835 : vector<16xf32>
      %add3A_837 = arith.constant 192 : i32
      %add3A_838 = arith.addi %mul3A_108, %add3A_837 : i32
      %get3A_839 = arith.constant 3 : i32
      %get3A_840 = arith.index_cast %get3A_839 : i32 to index
      %get3A_841 = arith.index_cast %add3A_838 : i32 to index
      %get3A_842 = tpu.vector_load %arg9[%get3A_840, %get3A_841] {strides = array<i32>} : memref<4x3200xf32, #tpu.memory_space<vmem>>, vector<16xf32>,
      %mul3A_843 = arith.mulf %get3A_842, %convert_element_type3A : vector<16xf32>
      %add3A_844 = arith.addf %add3A_836, %mul3A_843 : vector<16xf32>
      %mul3A_845 = arith.mulf %get3A_842, %sub3A_56 : vector<16xf32>
      %add3A_846 = arith.addf %broadcast_in_dim3A_752, %mul3A_845 : vector<16xf32>
      %add3A_847 = arith.constant 208 : i32
      %add3A_848 = arith.addi %mul3A_108, %add3A_847 : i32
      %get3A_849 = arith.constant 3 : i32
      %get3A_850 = arith.index_cast %get3A_849 : i32 to index
      %get3A_851 = arith.index_cast %add3A_848 : i32 to index
      %get3A_852 = tpu.vector_load %arg9[%get3A_850, %get3A_851] {strides = array<i32>} : memref<4x3200xf32, #tpu.memory_space<vmem>>, vector<16xf32>,
      %add3A_853 = arith.addf %add3A_846, %get3A_852 : vector<16xf32>
      %add3A_854 = arith.constant 224 : i32
      %add3A_855 = arith.addi %mul3A_108, %add3A_854 : i32
      %get3A_856 = arith.constant 3 : i32
      %get3A_857 = arith.index_cast %get3A_856 : i32 to index
      %get3A_858 = arith.index_cast %add3A_855 : i32 to index
      %get3A_859 = tpu.vector_load %arg9[%get3A_857, %get3A_858] {strides = array<i32>} : memref<4x3200xf32, #tpu.memory_space<vmem>>, vector<16xf32>,
      %add3A_860 = arith.addf %add3A_853, %get3A_859 : vector<16xf32>
      %add3A_861 = arith.constant 240 : i32
      %add3A_862 = arith.addi %mul3A_108, %add3A_861 : i32
      %get3A_863 = arith.constant 3 : i32
      %get3A_864 = arith.index_cast %get3A_863 : i32 to index
      %get3A_865 = arith.index_cast %add3A_862 : i32 to index
      %get3A_866 = tpu.vector_load %arg9[%get3A_864, %get3A_865] {strides = array<i32>} : memref<4x3200xf32, #tpu.memory_space<vmem>>, vector<16xf32>,
      %add3A_867 = arith.addf %add3A_860, %get3A_866 : vector<16xf32>
      %add3A_868 = arith.constant 256 : i32
      %add3A_869 = arith.addi %mul3A_108, %add3A_868 : i32
      %get3A_870 = arith.constant 3 : i32
      %get3A_871 = arith.index_cast %get3A_870 : i32 to index
      %get3A_872 = arith.index_cast %add3A_869 : i32 to index
      %get3A_873 = tpu.vector_load %arg9[%get3A_871, %get3A_872] {strides = array<i32>} : memref<4x3200xf32, #tpu.memory_space<vmem>>, vector<16xf32>,
      %add3A_874 = arith.addf %add3A_867, %get3A_873 : vector<16xf32>
      %add3A_875 = arith.constant 272 : i32
      %add3A_876 = arith.addi %mul3A_108, %add3A_875 : i32
      %get3A_877 = arith.constant 3 : i32
      %get3A_878 = arith.index_cast %get3A_877 : i32 to index
      %get3A_879 = arith.index_cast %add3A_876 : i32 to index
      %get3A_880 = tpu.vector_load %arg9[%get3A_878, %get3A_879] {strides = array<i32>} : memref<4x3200xf32, #tpu.memory_space<vmem>>, vector<16xf32>,
      %add3A_881 = arith.addf %add3A_874, %get3A_880 : vector<16xf32>
      %add3A_882 = arith.constant 288 : i32
      %add3A_883 = arith.addi %mul3A_108, %add3A_882 : i32
      %get3A_884 = arith.constant 3 : i32
      %get3A_885 = arith.index_cast %get3A_884 : i32 to index
      %get3A_886 = arith.index_cast %add3A_883 : i32 to index
      %get3A_887 = tpu.vector_load %arg9[%get3A_885, %get3A_886] {strides = array<i32>} : memref<4x3200xf32, #tpu.memory_space<vmem>>, vector<16xf32>,
      %add3A_888 = arith.addf %add3A_881, %get3A_887 : vector<16xf32>
      %add3A_889 = arith.constant 304 : i32
      %add3A_890 = arith.addi %mul3A_108, %add3A_889 : i32
      %get3A_891 = arith.constant 3 : i32
      %get3A_892 = arith.index_cast %get3A_891 : i32 to index
      %get3A_893 = arith.index_cast %add3A_890 : i32 to index
      %get3A_894 = tpu.vector_load %arg9[%get3A_892, %get3A_893] {strides = array<i32>} : memref<4x3200xf32, #tpu.memory_space<vmem>>, vector<16xf32>,
      %add3A_895 = arith.addf %add3A_888, %get3A_894 : vector<16xf32>
      %add3A_896 = arith.constant 320 : i32
      %add3A_897 = arith.addi %mul3A_108, %add3A_896 : i32
      %get3A_898 = arith.constant 3 : i32
      %get3A_899 = arith.index_cast %get3A_898 : i32 to index
      %get3A_900 = arith.index_cast %add3A_897 : i32 to index
      %get3A_901 = tpu.vector_load %arg9[%get3A_899, %get3A_900] {strides = array<i32>} : memref<4x3200xf32, #tpu.memory_space<vmem>>, vector<16xf32>,
      %add3A_902 = arith.addf %add3A_895, %get3A_901 : vector<16xf32>
      %add3A_903 = arith.constant 336 : i32
      %add3A_904 = arith.addi %mul3A_108, %add3A_903 : i32
      %get3A_905 = arith.constant 3 : i32
      %get3A_906 = arith.index_cast %get3A_905 : i32 to index
      %get3A_907 = arith.index_cast %add3A_904 : i32 to index
      %get3A_908 = tpu.vector_load %arg9[%get3A_906, %get3A_907] {strides = array<i32>} : memref<4x3200xf32, #tpu.memory_space<vmem>>, vector<16xf32>,
      %add3A_909 = arith.addf %add3A_902, %get3A_908 : vector<16xf32>
      %add3A_910 = arith.constant 352 : i32
      %add3A_911 = arith.addi %mul3A_108, %add3A_910 : i32
      %get3A_912 = arith.constant 3 : i32
      %get3A_913 = arith.index_cast %get3A_912 : i32 to index
      %get3A_914 = arith.index_cast %add3A_911 : i32 to index
      %get3A_915 = tpu.vector_load %arg9[%get3A_913, %get3A_914] {strides = array<i32>} : memref<4x3200xf32, #tpu.memory_space<vmem>>, vector<16xf32>,
      %add3A_916 = arith.addf %add3A_909, %get3A_915 : vector<16xf32>
      %add3A_917 = arith.constant 368 : i32
      %add3A_918 = arith.addi %mul3A_108, %add3A_917 : i32
      %get3A_919 = arith.constant 3 : i32
      %get3A_920 = arith.index_cast %get3A_919 : i32 to index
      %get3A_921 = arith.index_cast %add3A_918 : i32 to index
      %get3A_922 = tpu.vector_load %arg9[%get3A_920, %get3A_921] {strides = array<i32>} : memref<4x3200xf32, #tpu.memory_space<vmem>>, vector<16xf32>,
      %add3A_923 = arith.addf %add3A_916, %get3A_922 : vector<16xf32>
      %add3A_924 = arith.constant 384 : i32
      %add3A_925 = arith.addi %mul3A_108, %add3A_924 : i32
      %get3A_926 = arith.constant 3 : i32
      %get3A_927 = arith.index_cast %get3A_926 : i32 to index
      %get3A_928 = arith.index_cast %add3A_925 : i32 to index
      %get3A_929 = tpu.vector_load %arg9[%get3A_927, %get3A_928] {strides = array<i32>} : memref<4x3200xf32, #tpu.memory_space<vmem>>, vector<16xf32>,
      %add3A_930 = arith.addf %add3A_923, %get3A_929 : vector<16xf32>
      %reduce_sum3A_931 = arith.constant true
      %reduce_sum3A_932 = vector.broadcast %reduce_sum3A_931 : i1 to vector<16xi1>
      %reduce_sum3A_933 = tpu.scan <sum>, %add3A_844 masked %reduce_sum3A_932 : vector<16xf32>, vector<16xi1> -> vector<16xf32>
      %reduce_sum3A_934 = vector.extract %reduce_sum3A_933[15] : f32 from vector<16xf32>
      %broadcast_in_dim3A_935 = vector.broadcast %reduce_sum3A_934 : f32 to vector<16xf32>
      %reduce_sum3A_936 = arith.constant true
      %reduce_sum3A_937 = vector.broadcast %reduce_sum3A_936 : i1 to vector<16xi1>
      %reduce_sum3A_938 = tpu.scan <sum>, %add3A_930 masked %reduce_sum3A_937 : vector<16xf32>, vector<16xi1> -> vector<16xf32>
      %reduce_sum3A_939 = vector.extract %reduce_sum3A_938[15] : f32 from vector<16xf32>
      %broadcast_in_dim3A_940 = vector.broadcast %reduce_sum3A_939 : f32 to vector<16xf32>
      %mul3A_941 = arith.constant 2 : i32
      %mul3A_942 = arith.muli %mul3A_941, %scan3A_100 : i32
      %broadcast_in_dim3A_943 = vector.broadcast %mul3A_942 : i32 to vector<16xi32>
      %sub3A_944 = arith.subi %iota3A, %broadcast_in_dim3A_943 : vector<16xi32>
      %mul3A_945 = arith.muli %sub3A_944, %sub3A_944 : vector<16xi32>
      %min3A_946 = arith.minsi %mul3A_945, %broadcast_in_dim3A_49 : vector<16xi32>
      %sub3A_947 = arith.subi %broadcast_in_dim3A_49, %min3A_946 : vector<16xi32>
      %convert_element_type3A_948 = arith.sitofp %sub3A_947 : vector<16xi32> to vector<16xf32>
      %mul3A_949 = arith.mulf %broadcast_in_dim3A_935, %convert_element_type3A_948 : vector<16xf32>
      %add3A_950 = arith.addf %scan3A_104, %mul3A_949 : vector<16xf32>
      %mul3A_951 = arith.constant 2 : i32
      %mul3A_952 = arith.muli %mul3A_951, %scan3A_100 : i32
      %add3A_953 = arith.constant 1 : i32
      %add3A_954 = arith.addi %mul3A_952, %add3A_953 : i32
      %broadcast_in_dim3A_955 = vector.broadcast %add3A_954 : i32 to vector<16xi32>
      %sub3A_956 = arith.subi %iota3A, %broadcast_in_dim3A_955 : vector<16xi32>
      %mul3A_957 = arith.muli %sub3A_956, %sub3A_956 : vector<16xi32>
      %min3A_958 = arith.minsi %mul3A_957, %broadcast_in_dim3A_49 : vector<16xi32>
      %sub3A_959 = arith.subi %broadcast_in_dim3A_49, %min3A_958 : vector<16xi32>
      %convert_element_type3A_960 = arith.sitofp %sub3A_959 : vector<16xi32> to vector<16xf32>
      %mul3A_961 = arith.mulf %broadcast_in_dim3A_940, %convert_element_type3A_960 : vector<16xf32>
      %add3A_962 = arith.addf %add3A_950, %mul3A_961 : vector<16xf32>
      scf.yield %add3A_320, %add3A_534, %add3A_748, %add3A_962 : vector<16xf32>, vector<16xf32>, vector<16xf32>, vector<16xf32>
    }
    %scan3A_69 = arith.constant 8 : i32
    %swap3A = arith.constant 0 : i32
    %swap3A_70 = arith.index_cast %swap3A : i32 to index
    %swap3A_71 = arith.constant 0 : index
    %swap3A_72 = tpu.vector_load %arg10[%swap3A_70, %swap3A_71] {strides = array<i32>} : memref<4x16xf32, #tpu.memory_space<vmem>>, vector<16xf32>,
    tpu.vector_store %arg10[%swap3A_70, %swap3A_71], %scan3A_68#0 {strides = array<i32>} : memref<4x16xf32, #tpu.memory_space<vmem>>, vector<16xf32>,
    %mul3A_73 = arith.constant 16 : i32
    %mul3A_74 = arith.muli %add3A, %mul3A_73 : i32
    %run_scoped3A = arith.constant 0 : i32
    %run_scoped3A_75 = arith.constant 0 : i32
    "tpu.region"() ({
      %run_scoped3A_100 = tpu.sem_alloc : memref<!tpu.dma_semaphore, #tpu.memory_space<semaphore_mem>>
      %dma_start3A_101 = arith.constant 0 : i32
      %dma_start3A_102 = tpu.memref_slice %arg10[%run_scoped3A, %dma_start3A_101] : memref<4x16xf32, #tpu.memory_space<vmem>> -> memref<1x16xf32, #tpu.memory_space<vmem>>
      %dma_start3A_103 = tpu.memref_squeeze %dma_start3A_102 : memref<1x16xf32, #tpu.memory_space<vmem>> -> memref<16xf32, #tpu.memory_space<vmem>>
      %dma_start3A_104 = arith.constant 0 : i32
      %dma_start3A_105 = tpu.memref_slice %arg7[%run_scoped3A_75, %dma_start3A_104] : memref<4x512xf32, #tpu.memory_space<hbm>> -> memref<1x512xf32, #tpu.memory_space<hbm>>
      %dma_start3A_106 = tpu.memref_squeeze %dma_start3A_105 : memref<1x512xf32, #tpu.memory_space<hbm>> -> memref<512xf32, #tpu.memory_space<hbm>>
      %dma_start3A_107 = tpu.memref_slice %dma_start3A_106[%mul3A_74] : memref<512xf32, #tpu.memory_space<hbm>> -> memref<16xf32, #tpu.memory_space<hbm>>
      %dma_start3A_108 = arith.constant 0 : i32
      %dma_start3A_109 = tpu.memref_slice %arg7[%run_scoped3A_75, %dma_start3A_108] : memref<4x512xf32, #tpu.memory_space<hbm>> -> memref<1x512xf32, #tpu.memory_space<hbm>>
      %dma_start3A_110 = tpu.memref_squeeze %dma_start3A_109 : memref<1x512xf32, #tpu.memory_space<hbm>> -> memref<512xf32, #tpu.memory_space<hbm>>
      %dma_start3A_111 = tpu.memref_slice %dma_start3A_110[%mul3A_74] : memref<512xf32, #tpu.memory_space<hbm>> -> memref<16xf32, #tpu.memory_space<hbm>>
      %dma_start3A_112 = arith.constant 0 : i32
      %dma_start3A_113 = tpu.memref_slice %arg10[%run_scoped3A, %dma_start3A_112] : memref<4x16xf32, #tpu.memory_space<vmem>> -> memref<1x16xf32, #tpu.memory_space<vmem>>
      %dma_start3A_114 = tpu.memref_squeeze %dma_start3A_113 : memref<1x16xf32, #tpu.memory_space<vmem>> -> memref<16xf32, #tpu.memory_space<vmem>>
      tpu.enqueue_dma source(%dma_start3A_114 : memref<16xf32, #tpu.memory_space<vmem>>) target(%dma_start3A_111 : memref<16xf32, #tpu.memory_space<hbm>>) target_semaphore(%run_scoped3A_100 : memref<!tpu.dma_semaphore, #tpu.memory_space<semaphore_mem>>)
      %dma_wait3A_115 = arith.constant 0 : i32
      %dma_wait3A_116 = tpu.memref_slice %arg10[%run_scoped3A, %dma_wait3A_115] : memref<4x16xf32, #tpu.memory_space<vmem>> -> memref<1x16xf32, #tpu.memory_space<vmem>>
      %dma_wait3A_117 = tpu.memref_squeeze %dma_wait3A_116 : memref<1x16xf32, #tpu.memory_space<vmem>> -> memref<16xf32, #tpu.memory_space<vmem>>
      %dma_wait3A_118 = arith.constant 0 : i32
      %dma_wait3A_119 = tpu.memref_slice %arg7[%run_scoped3A_75, %dma_wait3A_118] : memref<4x512xf32, #tpu.memory_space<hbm>> -> memref<1x512xf32, #tpu.memory_space<hbm>>
      %dma_wait3A_120 = tpu.memref_squeeze %dma_wait3A_119 : memref<1x512xf32, #tpu.memory_space<hbm>> -> memref<512xf32, #tpu.memory_space<hbm>>
      %dma_wait3A_121 = tpu.memref_slice %dma_wait3A_120[%mul3A_74] : memref<512xf32, #tpu.memory_space<hbm>> -> memref<16xf32, #tpu.memory_space<hbm>>
      %dma_wait3A_122 = arith.constant 0 : i32
      %dma_wait3A_123 = tpu.memref_slice %arg7[%run_scoped3A_75, %dma_wait3A_122] : memref<4x512xf32, #tpu.memory_space<hbm>> -> memref<1x512xf32, #tpu.memory_space<hbm>>
      %dma_wait3A_124 = tpu.memref_squeeze %dma_wait3A_123 : memref<1x512xf32, #tpu.memory_space<hbm>> -> memref<512xf32, #tpu.memory_space<hbm>>
      %dma_wait3A_125 = tpu.memref_slice %dma_wait3A_124[%mul3A_74] : memref<512xf32, #tpu.memory_space<hbm>> -> memref<16xf32, #tpu.memory_space<hbm>>
      %dma_wait3A_126 = arith.constant 0 : i32
      %dma_wait3A_127 = tpu.memref_slice %arg10[%run_scoped3A, %dma_wait3A_126] : memref<4x16xf32, #tpu.memory_space<vmem>> -> memref<1x16xf32, #tpu.memory_space<vmem>>
      %dma_wait3A_128 = tpu.memref_squeeze %dma_wait3A_127 : memref<1x16xf32, #tpu.memory_space<vmem>> -> memref<16xf32, #tpu.memory_space<vmem>>
      tpu.wait_dma2 semaphore(%run_scoped3A_100 : memref<!tpu.dma_semaphore, #tpu.memory_space<semaphore_mem>>) src(%dma_wait3A_128 : memref<16xf32, #tpu.memory_space<vmem>>) dst(%dma_wait3A_125 : memref<16xf32, #tpu.memory_space<hbm>>)
      tpu.yield
    }) : () -> ()
    %swap3A_76 = arith.constant 1 : i32
    %swap3A_77 = arith.index_cast %swap3A_76 : i32 to index
    %swap3A_78 = arith.constant 0 : index
    %swap3A_79 = tpu.vector_load %arg10[%swap3A_77, %swap3A_78] {strides = array<i32>} : memref<4x16xf32, #tpu.memory_space<vmem>>, vector<16xf32>,
    tpu.vector_store %arg10[%swap3A_77, %swap3A_78], %scan3A_68#1 {strides = array<i32>} : memref<4x16xf32, #tpu.memory_space<vmem>>, vector<16xf32>,
    %mul3A_80 = arith.constant 16 : i32
    %mul3A_81 = arith.muli %add3A, %mul3A_80 : i32
    %run_scoped3A_82 = arith.constant 1 : i32
    %run_scoped3A_83 = arith.constant 1 : i32
    "tpu.region"() ({
      %run_scoped3A_100 = tpu.sem_alloc : memref<!tpu.dma_semaphore, #tpu.memory_space<semaphore_mem>>
      %dma_start3A_101 = arith.constant 0 : i32
      %dma_start3A_102 = tpu.memref_slice %arg10[%run_scoped3A_82, %dma_start3A_101] : memref<4x16xf32, #tpu.memory_space<vmem>> -> memref<1x16xf32, #tpu.memory_space<vmem>>
      %dma_start3A_103 = tpu.memref_squeeze %dma_start3A_102 : memref<1x16xf32, #tpu.memory_space<vmem>> -> memref<16xf32, #tpu.memory_space<vmem>>
      %dma_start3A_104 = arith.constant 0 : i32
      %dma_start3A_105 = tpu.memref_slice %arg7[%run_scoped3A_83, %dma_start3A_104] : memref<4x512xf32, #tpu.memory_space<hbm>> -> memref<1x512xf32, #tpu.memory_space<hbm>>
      %dma_start3A_106 = tpu.memref_squeeze %dma_start3A_105 : memref<1x512xf32, #tpu.memory_space<hbm>> -> memref<512xf32, #tpu.memory_space<hbm>>
      %dma_start3A_107 = tpu.memref_slice %dma_start3A_106[%mul3A_81] : memref<512xf32, #tpu.memory_space<hbm>> -> memref<16xf32, #tpu.memory_space<hbm>>
      %dma_start3A_108 = arith.constant 0 : i32
      %dma_start3A_109 = tpu.memref_slice %arg7[%run_scoped3A_83, %dma_start3A_108] : memref<4x512xf32, #tpu.memory_space<hbm>> -> memref<1x512xf32, #tpu.memory_space<hbm>>
      %dma_start3A_110 = tpu.memref_squeeze %dma_start3A_109 : memref<1x512xf32, #tpu.memory_space<hbm>> -> memref<512xf32, #tpu.memory_space<hbm>>
      %dma_start3A_111 = tpu.memref_slice %dma_start3A_110[%mul3A_81] : memref<512xf32, #tpu.memory_space<hbm>> -> memref<16xf32, #tpu.memory_space<hbm>>
      %dma_start3A_112 = arith.constant 0 : i32
      %dma_start3A_113 = tpu.memref_slice %arg10[%run_scoped3A_82, %dma_start3A_112] : memref<4x16xf32, #tpu.memory_space<vmem>> -> memref<1x16xf32, #tpu.memory_space<vmem>>
      %dma_start3A_114 = tpu.memref_squeeze %dma_start3A_113 : memref<1x16xf32, #tpu.memory_space<vmem>> -> memref<16xf32, #tpu.memory_space<vmem>>
      tpu.enqueue_dma source(%dma_start3A_114 : memref<16xf32, #tpu.memory_space<vmem>>) target(%dma_start3A_111 : memref<16xf32, #tpu.memory_space<hbm>>) target_semaphore(%run_scoped3A_100 : memref<!tpu.dma_semaphore, #tpu.memory_space<semaphore_mem>>)
      %dma_wait3A_115 = arith.constant 0 : i32
      %dma_wait3A_116 = tpu.memref_slice %arg10[%run_scoped3A_82, %dma_wait3A_115] : memref<4x16xf32, #tpu.memory_space<vmem>> -> memref<1x16xf32, #tpu.memory_space<vmem>>
      %dma_wait3A_117 = tpu.memref_squeeze %dma_wait3A_116 : memref<1x16xf32, #tpu.memory_space<vmem>> -> memref<16xf32, #tpu.memory_space<vmem>>
      %dma_wait3A_118 = arith.constant 0 : i32
      %dma_wait3A_119 = tpu.memref_slice %arg7[%run_scoped3A_83, %dma_wait3A_118] : memref<4x512xf32, #tpu.memory_space<hbm>> -> memref<1x512xf32, #tpu.memory_space<hbm>>
      %dma_wait3A_120 = tpu.memref_squeeze %dma_wait3A_119 : memref<1x512xf32, #tpu.memory_space<hbm>> -> memref<512xf32, #tpu.memory_space<hbm>>
      %dma_wait3A_121 = tpu.memref_slice %dma_wait3A_120[%mul3A_81] : memref<512xf32, #tpu.memory_space<hbm>> -> memref<16xf32, #tpu.memory_space<hbm>>
      %dma_wait3A_122 = arith.constant 0 : i32
      %dma_wait3A_123 = tpu.memref_slice %arg7[%run_scoped3A_83, %dma_wait3A_122] : memref<4x512xf32, #tpu.memory_space<hbm>> -> memref<1x512xf32, #tpu.memory_space<hbm>>
      %dma_wait3A_124 = tpu.memref_squeeze %dma_wait3A_123 : memref<1x512xf32, #tpu.memory_space<hbm>> -> memref<512xf32, #tpu.memory_space<hbm>>
      %dma_wait3A_125 = tpu.memref_slice %dma_wait3A_124[%mul3A_81] : memref<512xf32, #tpu.memory_space<hbm>> -> memref<16xf32, #tpu.memory_space<hbm>>
      %dma_wait3A_126 = arith.constant 0 : i32
      %dma_wait3A_127 = tpu.memref_slice %arg10[%run_scoped3A_82, %dma_wait3A_126] : memref<4x16xf32, #tpu.memory_space<vmem>> -> memref<1x16xf32, #tpu.memory_space<vmem>>
      %dma_wait3A_128 = tpu.memref_squeeze %dma_wait3A_127 : memref<1x16xf32, #tpu.memory_space<vmem>> -> memref<16xf32, #tpu.memory_space<vmem>>
      tpu.wait_dma2 semaphore(%run_scoped3A_100 : memref<!tpu.dma_semaphore, #tpu.memory_space<semaphore_mem>>) src(%dma_wait3A_128 : memref<16xf32, #tpu.memory_space<vmem>>) dst(%dma_wait3A_125 : memref<16xf32, #tpu.memory_space<hbm>>)
      tpu.yield
    }) : () -> ()
    %swap3A_84 = arith.constant 2 : i32
    %swap3A_85 = arith.index_cast %swap3A_84 : i32 to index
    %swap3A_86 = arith.constant 0 : index
    %swap3A_87 = tpu.vector_load %arg10[%swap3A_85, %swap3A_86] {strides = array<i32>} : memref<4x16xf32, #tpu.memory_space<vmem>>, vector<16xf32>,
    tpu.vector_store %arg10[%swap3A_85, %swap3A_86], %scan3A_68#2 {strides = array<i32>} : memref<4x16xf32, #tpu.memory_space<vmem>>, vector<16xf32>,
    %mul3A_88 = arith.constant 16 : i32
    %mul3A_89 = arith.muli %add3A, %mul3A_88 : i32
    %run_scoped3A_90 = arith.constant 2 : i32
    %run_scoped3A_91 = arith.constant 2 : i32
    "tpu.region"() ({
      %run_scoped3A_100 = tpu.sem_alloc : memref<!tpu.dma_semaphore, #tpu.memory_space<semaphore_mem>>
      %dma_start3A_101 = arith.constant 0 : i32
      %dma_start3A_102 = tpu.memref_slice %arg10[%run_scoped3A_90, %dma_start3A_101] : memref<4x16xf32, #tpu.memory_space<vmem>> -> memref<1x16xf32, #tpu.memory_space<vmem>>
      %dma_start3A_103 = tpu.memref_squeeze %dma_start3A_102 : memref<1x16xf32, #tpu.memory_space<vmem>> -> memref<16xf32, #tpu.memory_space<vmem>>
      %dma_start3A_104 = arith.constant 0 : i32
      %dma_start3A_105 = tpu.memref_slice %arg7[%run_scoped3A_91, %dma_start3A_104] : memref<4x512xf32, #tpu.memory_space<hbm>> -> memref<1x512xf32, #tpu.memory_space<hbm>>
      %dma_start3A_106 = tpu.memref_squeeze %dma_start3A_105 : memref<1x512xf32, #tpu.memory_space<hbm>> -> memref<512xf32, #tpu.memory_space<hbm>>
      %dma_start3A_107 = tpu.memref_slice %dma_start3A_106[%mul3A_89] : memref<512xf32, #tpu.memory_space<hbm>> -> memref<16xf32, #tpu.memory_space<hbm>>
      %dma_start3A_108 = arith.constant 0 : i32
      %dma_start3A_109 = tpu.memref_slice %arg7[%run_scoped3A_91, %dma_start3A_108] : memref<4x512xf32, #tpu.memory_space<hbm>> -> memref<1x512xf32, #tpu.memory_space<hbm>>
      %dma_start3A_110 = tpu.memref_squeeze %dma_start3A_109 : memref<1x512xf32, #tpu.memory_space<hbm>> -> memref<512xf32, #tpu.memory_space<hbm>>
      %dma_start3A_111 = tpu.memref_slice %dma_start3A_110[%mul3A_89] : memref<512xf32, #tpu.memory_space<hbm>> -> memref<16xf32, #tpu.memory_space<hbm>>
      %dma_start3A_112 = arith.constant 0 : i32
      %dma_start3A_113 = tpu.memref_slice %arg10[%run_scoped3A_90, %dma_start3A_112] : memref<4x16xf32, #tpu.memory_space<vmem>> -> memref<1x16xf32, #tpu.memory_space<vmem>>
      %dma_start3A_114 = tpu.memref_squeeze %dma_start3A_113 : memref<1x16xf32, #tpu.memory_space<vmem>> -> memref<16xf32, #tpu.memory_space<vmem>>
      tpu.enqueue_dma source(%dma_start3A_114 : memref<16xf32, #tpu.memory_space<vmem>>) target(%dma_start3A_111 : memref<16xf32, #tpu.memory_space<hbm>>) target_semaphore(%run_scoped3A_100 : memref<!tpu.dma_semaphore, #tpu.memory_space<semaphore_mem>>)
      %dma_wait3A_115 = arith.constant 0 : i32
      %dma_wait3A_116 = tpu.memref_slice %arg10[%run_scoped3A_90, %dma_wait3A_115] : memref<4x16xf32, #tpu.memory_space<vmem>> -> memref<1x16xf32, #tpu.memory_space<vmem>>
      %dma_wait3A_117 = tpu.memref_squeeze %dma_wait3A_116 : memref<1x16xf32, #tpu.memory_space<vmem>> -> memref<16xf32, #tpu.memory_space<vmem>>
      %dma_wait3A_118 = arith.constant 0 : i32
      %dma_wait3A_119 = tpu.memref_slice %arg7[%run_scoped3A_91, %dma_wait3A_118] : memref<4x512xf32, #tpu.memory_space<hbm>> -> memref<1x512xf32, #tpu.memory_space<hbm>>
      %dma_wait3A_120 = tpu.memref_squeeze %dma_wait3A_119 : memref<1x512xf32, #tpu.memory_space<hbm>> -> memref<512xf32, #tpu.memory_space<hbm>>
      %dma_wait3A_121 = tpu.memref_slice %dma_wait3A_120[%mul3A_89] : memref<512xf32, #tpu.memory_space<hbm>> -> memref<16xf32, #tpu.memory_space<hbm>>
      %dma_wait3A_122 = arith.constant 0 : i32
      %dma_wait3A_123 = tpu.memref_slice %arg7[%run_scoped3A_91, %dma_wait3A_122] : memref<4x512xf32, #tpu.memory_space<hbm>> -> memref<1x512xf32, #tpu.memory_space<hbm>>
      %dma_wait3A_124 = tpu.memref_squeeze %dma_wait3A_123 : memref<1x512xf32, #tpu.memory_space<hbm>> -> memref<512xf32, #tpu.memory_space<hbm>>
      %dma_wait3A_125 = tpu.memref_slice %dma_wait3A_124[%mul3A_89] : memref<512xf32, #tpu.memory_space<hbm>> -> memref<16xf32, #tpu.memory_space<hbm>>
      %dma_wait3A_126 = arith.constant 0 : i32
      %dma_wait3A_127 = tpu.memref_slice %arg10[%run_scoped3A_90, %dma_wait3A_126] : memref<4x16xf32, #tpu.memory_space<vmem>> -> memref<1x16xf32, #tpu.memory_space<vmem>>
      %dma_wait3A_128 = tpu.memref_squeeze %dma_wait3A_127 : memref<1x16xf32, #tpu.memory_space<vmem>> -> memref<16xf32, #tpu.memory_space<vmem>>
      tpu.wait_dma2 semaphore(%run_scoped3A_100 : memref<!tpu.dma_semaphore, #tpu.memory_space<semaphore_mem>>) src(%dma_wait3A_128 : memref<16xf32, #tpu.memory_space<vmem>>) dst(%dma_wait3A_125 : memref<16xf32, #tpu.memory_space<hbm>>)
      tpu.yield
    }) : () -> ()
    %swap3A_92 = arith.constant 3 : i32
    %swap3A_93 = arith.index_cast %swap3A_92 : i32 to index
    %swap3A_94 = arith.constant 0 : index
    %swap3A_95 = tpu.vector_load %arg10[%swap3A_93, %swap3A_94] {strides = array<i32>} : memref<4x16xf32, #tpu.memory_space<vmem>>, vector<16xf32>,
    tpu.vector_store %arg10[%swap3A_93, %swap3A_94], %scan3A_68#3 {strides = array<i32>} : memref<4x16xf32, #tpu.memory_space<vmem>>, vector<16xf32>,
    %mul3A_96 = arith.constant 16 : i32
    %mul3A_97 = arith.muli %add3A, %mul3A_96 : i32
    %run_scoped3A_98 = arith.constant 3 : i32
    %run_scoped3A_99 = arith.constant 3 : i32
    "tpu.region"() ({
      %run_scoped3A_100 = tpu.sem_alloc : memref<!tpu.dma_semaphore, #tpu.memory_space<semaphore_mem>>
      %dma_start3A_101 = arith.constant 0 : i32
      %dma_start3A_102 = tpu.memref_slice %arg10[%run_scoped3A_98, %dma_start3A_101] : memref<4x16xf32, #tpu.memory_space<vmem>> -> memref<1x16xf32, #tpu.memory_space<vmem>>
      %dma_start3A_103 = tpu.memref_squeeze %dma_start3A_102 : memref<1x16xf32, #tpu.memory_space<vmem>> -> memref<16xf32, #tpu.memory_space<vmem>>
      %dma_start3A_104 = arith.constant 0 : i32
      %dma_start3A_105 = tpu.memref_slice %arg7[%run_scoped3A_99, %dma_start3A_104] : memref<4x512xf32, #tpu.memory_space<hbm>> -> memref<1x512xf32, #tpu.memory_space<hbm>>
      %dma_start3A_106 = tpu.memref_squeeze %dma_start3A_105 : memref<1x512xf32, #tpu.memory_space<hbm>> -> memref<512xf32, #tpu.memory_space<hbm>>
      %dma_start3A_107 = tpu.memref_slice %dma_start3A_106[%mul3A_97] : memref<512xf32, #tpu.memory_space<hbm>> -> memref<16xf32, #tpu.memory_space<hbm>>
      %dma_start3A_108 = arith.constant 0 : i32
      %dma_start3A_109 = tpu.memref_slice %arg7[%run_scoped3A_99, %dma_start3A_108] : memref<4x512xf32, #tpu.memory_space<hbm>> -> memref<1x512xf32, #tpu.memory_space<hbm>>
      %dma_start3A_110 = tpu.memref_squeeze %dma_start3A_109 : memref<1x512xf32, #tpu.memory_space<hbm>> -> memref<512xf32, #tpu.memory_space<hbm>>
      %dma_start3A_111 = tpu.memref_slice %dma_start3A_110[%mul3A_97] : memref<512xf32, #tpu.memory_space<hbm>> -> memref<16xf32, #tpu.memory_space<hbm>>
      %dma_start3A_112 = arith.constant 0 : i32
      %dma_start3A_113 = tpu.memref_slice %arg10[%run_scoped3A_98, %dma_start3A_112] : memref<4x16xf32, #tpu.memory_space<vmem>> -> memref<1x16xf32, #tpu.memory_space<vmem>>
      %dma_start3A_114 = tpu.memref_squeeze %dma_start3A_113 : memref<1x16xf32, #tpu.memory_space<vmem>> -> memref<16xf32, #tpu.memory_space<vmem>>
      tpu.enqueue_dma source(%dma_start3A_114 : memref<16xf32, #tpu.memory_space<vmem>>) target(%dma_start3A_111 : memref<16xf32, #tpu.memory_space<hbm>>) target_semaphore(%run_scoped3A_100 : memref<!tpu.dma_semaphore, #tpu.memory_space<semaphore_mem>>)
      %dma_wait3A_115 = arith.constant 0 : i32
      %dma_wait3A_116 = tpu.memref_slice %arg10[%run_scoped3A_98, %dma_wait3A_115] : memref<4x16xf32, #tpu.memory_space<vmem>> -> memref<1x16xf32, #tpu.memory_space<vmem>>
      %dma_wait3A_117 = tpu.memref_squeeze %dma_wait3A_116 : memref<1x16xf32, #tpu.memory_space<vmem>> -> memref<16xf32, #tpu.memory_space<vmem>>
      %dma_wait3A_118 = arith.constant 0 : i32
      %dma_wait3A_119 = tpu.memref_slice %arg7[%run_scoped3A_99, %dma_wait3A_118] : memref<4x512xf32, #tpu.memory_space<hbm>> -> memref<1x512xf32, #tpu.memory_space<hbm>>
      %dma_wait3A_120 = tpu.memref_squeeze %dma_wait3A_119 : memref<1x512xf32, #tpu.memory_space<hbm>> -> memref<512xf32, #tpu.memory_space<hbm>>
      %dma_wait3A_121 = tpu.memref_slice %dma_wait3A_120[%mul3A_97] : memref<512xf32, #tpu.memory_space<hbm>> -> memref<16xf32, #tpu.memory_space<hbm>>
      %dma_wait3A_122 = arith.constant 0 : i32
      %dma_wait3A_123 = tpu.memref_slice %arg7[%run_scoped3A_99, %dma_wait3A_122] : memref<4x512xf32, #tpu.memory_space<hbm>> -> memref<1x512xf32, #tpu.memory_space<hbm>>
      %dma_wait3A_124 = tpu.memref_squeeze %dma_wait3A_123 : memref<1x512xf32, #tpu.memory_space<hbm>> -> memref<512xf32, #tpu.memory_space<hbm>>
      %dma_wait3A_125 = tpu.memref_slice %dma_wait3A_124[%mul3A_97] : memref<512xf32, #tpu.memory_space<hbm>> -> memref<16xf32, #tpu.memory_space<hbm>>
      %dma_wait3A_126 = arith.constant 0 : i32
      %dma_wait3A_127 = tpu.memref_slice %arg10[%run_scoped3A_98, %dma_wait3A_126] : memref<4x16xf32, #tpu.memory_space<vmem>> -> memref<1x16xf32, #tpu.memory_space<vmem>>
      %dma_wait3A_128 = tpu.memref_squeeze %dma_wait3A_127 : memref<1x16xf32, #tpu.memory_space<vmem>> -> memref<16xf32, #tpu.memory_space<vmem>>
      tpu.wait_dma2 semaphore(%run_scoped3A_100 : memref<!tpu.dma_semaphore, #tpu.memory_space<semaphore_mem>>) src(%dma_wait3A_128 : memref<16xf32, #tpu.memory_space<vmem>>) dst(%dma_wait3A_125 : memref<16xf32, #tpu.memory_space<hbm>>)
      tpu.yield
    }) : () -> ()
    return
  }
}

module attributes {stable_mosaic.version = 14 : i64} {
  func.func @body(%arg0: i32, %arg1: memref<4x64xf32, #tpu.memory_space<vmem>>, %arg2: memref<64x32768xf32, #tpu.memory_space<vmem>>, %arg3: memref<32768xf32, #tpu.memory_space<vmem>>, %arg4: memref<32768xf32, #tpu.memory_space<vmem>>, %arg5: memref<32768xf32, #tpu.memory_space<vmem>>, %arg6: memref<32768xf32, #tpu.memory_space<vmem>>) attributes {dimension_semantics = [#tpu.dimension_semantics<arbitrary>], iteration_bounds = array<i64: 31>, scalar_prefetch = 0 : i64, scratch_operands = 0 : i64, tpu.core_type = #tpu.core_type<tc>, window_params = [{pipeline_mode = #tpu.pipeline_mode<synchronous>, transform_indices = @transform_0, window_bounds = array<i64: 4, 64>}, {transform_indices = @transform_1, window_bounds = array<i64: 64, 32768>}, {transform_indices = @transform_2, window_bounds = array<i64: 32768>}, {transform_indices = @transform_3, window_bounds = array<i64: 32768>}, {transform_indices = @transform_4, window_bounds = array<i64: 32768>}, {transform_indices = @transform_5, window_bounds = array<i64: 32768>}]} {
    %get3A = arith.constant 0 : index
    %get3A_0 = arith.constant 0 : index
    %get3A_1 = vector.load %arg1[%get3A, %get3A_0] : memref<4x64xf32, #tpu.memory_space<vmem>>, vector<4x64xf32>
    %mul3A = arith.constant 5.000000e-03 : f32
    %mul3A_2 = vector.broadcast %mul3A : f32 to vector<4x64xf32>
    %mul3A_3 = arith.mulf %get3A_1, %mul3A_2 : vector<4x64xf32>
    %get3A_4 = arith.constant 0 : index
    %get3A_5 = arith.constant 0 : index
    %get3A_6 = vector.load %arg2[%get3A_4, %get3A_5] : memref<64x32768xf32, #tpu.memory_space<vmem>>, vector<64x32768xf32>
    %dot_general3A = arith.constant dense<0.000000e+00> : vector<4x32768xf32>
    %dot_general3A_7 = tpu.matmul %mul3A_3, %get3A_6, %dot_general3A {dimension_numbers = #tpu.dot_dimension_numbers<[1], [0], [0], [1], [0, 0, 1, 1], [], []>, transpose_lhs_hint = false} : vector<4x64xf32>, vector<64x32768xf32>, vector<4x32768xf32> -> vector<4x32768xf32>
    %slice3A = vector.extract_strided_slice %dot_general3A_7 {offsets = [0, 0], sizes = [1, 32768], strides = [1, 1]} : vector<4x32768xf32> to vector<1x32768xf32>
    %squeeze3A = vector.shape_cast %slice3A : vector<1x32768xf32> to vector<32768xf32>
    %swap3A = arith.constant 0 : index
    %swap3A_8 = vector.load %arg3[%swap3A] : memref<32768xf32, #tpu.memory_space<vmem>>, vector<32768xf32>
    tpu.vector_store %arg3[%swap3A], %squeeze3A {strides = array<i32>} : memref<32768xf32, #tpu.memory_space<vmem>>, vector<32768xf32>,
    %slice3A_9 = vector.extract_strided_slice %dot_general3A_7 {offsets = [1, 0], sizes = [1, 32768], strides = [1, 1]} : vector<4x32768xf32> to vector<1x32768xf32>
    %squeeze3A_10 = vector.shape_cast %slice3A_9 : vector<1x32768xf32> to vector<32768xf32>
    %swap3A_11 = arith.constant 0 : index
    %swap3A_12 = vector.load %arg4[%swap3A_11] : memref<32768xf32, #tpu.memory_space<vmem>>, vector<32768xf32>
    tpu.vector_store %arg4[%swap3A_11], %squeeze3A_10 {strides = array<i32>} : memref<32768xf32, #tpu.memory_space<vmem>>, vector<32768xf32>,
    %slice3A_13 = vector.extract_strided_slice %dot_general3A_7 {offsets = [2, 0], sizes = [1, 32768], strides = [1, 1]} : vector<4x32768xf32> to vector<1x32768xf32>
    %squeeze3A_14 = vector.shape_cast %slice3A_13 : vector<1x32768xf32> to vector<32768xf32>
    %swap3A_15 = arith.constant 0 : index
    %swap3A_16 = vector.load %arg5[%swap3A_15] : memref<32768xf32, #tpu.memory_space<vmem>>, vector<32768xf32>
    tpu.vector_store %arg5[%swap3A_15], %squeeze3A_14 {strides = array<i32>} : memref<32768xf32, #tpu.memory_space<vmem>>, vector<32768xf32>,
    %slice3A_17 = vector.extract_strided_slice %dot_general3A_7 {offsets = [3, 0], sizes = [1, 32768], strides = [1, 1]} : vector<4x32768xf32> to vector<1x32768xf32>
    %squeeze3A_18 = vector.shape_cast %slice3A_17 : vector<1x32768xf32> to vector<32768xf32>
    %swap3A_19 = arith.constant 0 : index
    %swap3A_20 = vector.load %arg6[%swap3A_19] : memref<32768xf32, #tpu.memory_space<vmem>>, vector<32768xf32>
    tpu.vector_store %arg6[%swap3A_19], %squeeze3A_18 {strides = array<i32>} : memref<32768xf32, #tpu.memory_space<vmem>>, vector<32768xf32>,
    return
  }
  func.func @transform_0(%arg0: i32) -> (i32, i32) {
    %c0_i32 = arith.constant 0 : i32
    %c0_i32_0 = arith.constant 0 : i32
    %c0_i32_1 = arith.constant 0 : i32
    return %c0_i32, %c0_i32_0 : i32, i32
  }
  func.func @transform_1(%arg0: i32) -> (i32, i32) {
    %c0_i32 = arith.constant 0 : i32
    %c0_i32_0 = arith.constant 0 : i32
    return %c0_i32, %arg0 : i32, i32
  }
  func.func @transform_2(%arg0: i32) -> i32 {
    %c0_i32 = arith.constant 0 : i32
    return %arg0 : i32
  }
  func.func @transform_3(%arg0: i32) -> i32 {
    %c0_i32 = arith.constant 0 : i32
    return %arg0 : i32
  }
  func.func @transform_4(%arg0: i32) -> i32 {
    %c0_i32 = arith.constant 0 : i32
    return %arg0 : i32
  }
  func.func @transform_5(%arg0: i32) -> i32 {
    %c0_i32 = arith.constant 0 : i32
    return %arg0 : i32
  }
}

</mosaic_0001>

<sc_bundles>
// kernel: kernel.4.cloned.1.call-start
scs
__scs_entry_jumppad:
0x0: {  	(pc) =	sbr.rel $0x88, $3  }
0x1: {  	(tag) =	ssettag $0x0;
	lr =	simm.s32 $0x1  }
0x2: {  	[smem:$0x3F9D] =	sst lr;
	_ =	strace $0xD0000000  }
0x3: {  	_ = 	snop  }
0x4: {  	_ = 	snop  }
0x5: {  	_ = 	snop  }
0x6: {  	_ = 	snop  }
0x7: {  	_ = 	snop  }
__scs_overlays_trampoline_lowered:
0x8: {  	[smem:$0x3FAC] =	sst s0  }
0x9: {  	[smem:$0x3FAD] =	sst s1  }
0xa: {  	[smem:$0x3FAE] =	sst s2  }
0xb: {  	[smem:$0x3FAF] =	sst s3  }
0xc: {  	[smem:$0x3FB0] =	sst s4  }
0xd: {  	[smem:$0x3FB1] =	sst s5  }
0xe: {  	[smem:$0x3FB2] =	sst s6  }
0xf: {  	[smem:$0x3FB3] =	sst s7  }
0x10: {  	[smem:$0x3FB4] =	sst s8  }
0x11: {  	[smem:$0x3FB5] =	sst s9;
	s0 =	simm.s32 @!p0 $0x0  }
0x12: {  	s1 =	sld [smem:$0x3F9B];
	s0 =	simm.s32 @p0 $0x1  }
0x13: {  	[smem:$0x3FB6] =	sst s0;
	s0 =	simm.s32 @!p1 $0x0  }
0x14: {  	s2 =	sld [smem:$0x3F9A];
	s0 =	simm.s32 @p1 $0x1  }
0x15: {  	[smem:$0x3FB7] =	sst s0;
	s0 =	simm.s32 @!p2 $0x0  }
0x16: {  	s3 =	sld [smem:$0x3FDB];
	s0 =	simm.s32 @p2 $0x1  }
0x17: {  	s4 =	simm.s32 $0x1BF5;
	[smem:$0x3FB9] =	sst s0  }
0x18: {  	s0 =	sld [smem:$0x3F9C];
	_ =	swait.ge [sflag:s4], $0x0  }
0x19: {  	s7 =	sld [smem:$0x3F9D]  }
0x1a: {  	s8 =	sadd.s32 $0xFFFFE003, lr  }
0x1b: {  	s9 =	sadd.s32 $0xFFFFFEF7, lr;
	s5 =	simm.s32 $0xFFFFFFFF;
	p2 =	slt.u32 s8, $0xFFFFF086  }
0x1c: {  	p1 =	slt.u32 s9, $0xF7A;
	s5 =	simm.s32 @!p2 $0x0  }
0x1d: {  	s5 =	simm.s32 @p1 $0x1;
	p0 =	seq.s32 s7, s2  }
0x1e: {  	s7 =	smul.u32 @!p0 $0xF7A, s2;
	p2 =	seq.s32 @!p0 s5, $0x0  }
0x1f: {  	s9 =	smul.u32 $0xF7A, s1;
	s8 =	simm.s32 @!p0 $0x1BF5;
	p2 =	por !p2, p0  }
0x20: {  	[sflag:s8] =	ssyncset.s32 @!p0 $0xFFFFF086;
	s6 =	sadd.s32 @!p0 s3, s7;
	s7 =	simm.s32 @!p0 $0x108  }
0x21: {  	s3 =	sadd.s32 s3, s9;
	s6 =	sadd.s32 @!p0 $0x88, s6;
	s7 =	simm.s32 @p2 $0x1082  }
0x22: {  	[simem:s7], [sflag:s8] =	dma.local @!p0 [hbm:s6], $0xF7A  }
0x23: {  	s9 =	sor.u32 $0xD0000000, s2;
	s6 =	simm.s32 $0x108;
	_ =	swait.ge @!p0 [sflag:s8], $0x0  }
0x24: {  	s3 =	sadd.s32 $0x88, s3;
	s6 =	simm.s32 @!p1 $0x1082;
	[sflag:s4] =	ssyncset.s32 $0xFFFFF086  }
0x25: {  	[simem:s6], [sflag:s4] =	dma.local [hbm:s3], $0xF7A  }
0x26: {  	[smem:$0x3F9D] =	sst s1;
	(tag) =	ssettag s2;
	_ =	strace s9  }
0x27: {  	s1 =	sld [smem:$0x3FAD]  }
0x28: {  	s2 =	sld [smem:$0x3FAE]  }
0x29: {  	s4 =	sld [smem:$0x3FB0]  }
0x2a: {  	p0 =	seq.s32 s5, $0x0;
	s5 =	sld [smem:$0x3FB1]  }
0x2b: {  	s6 =	sld [smem:$0x3FB2]  }
0x2c: {  	s7 =	sld [smem:$0x3FB3]  }
0x2d: {  	s3 =	simm.s32 $0x108;
	s8 =	sld [smem:$0x3FB4]  }
0x2e: {  	s3 =	simm.s32 @!p0 $0x1082;
	s9 =	sld [smem:$0x3FB5]  }
0x2f: {  	lr =	sadd.s32 s0, s3;
	s0 =	sld [smem:$0x3FAC]  }
0x30: {  	s3 =	sld [smem:$0x3FAF]  }
0x31: {  	[smem:$0x3FB8] =	sst s10  }
0x32: {  	s10 =	sld [smem:$0x3FB6];
	_ =	sdelay $0x3  }
0x33: {  	p0 =	seq.s32 s10, $0x1;
	s10 =	sld [smem:$0x3FB8];
	_ =	sdelay $0x3  }
0x34: {  	[smem:$0x3FB8] =	sst s10  }
0x35: {  	s10 =	sld [smem:$0x3FB7];
	_ =	sdelay $0x3  }
0x36: {  	p1 =	seq.s32 s10, $0x1;
	s10 =	sld [smem:$0x3FB8];
	_ =	sdelay $0x3  }
0x37: {  	[smem:$0x3FB8] =	sst s10  }
0x38: {  	s10 =	sld [smem:$0x3FB9]  }
0x39: {  	_ = 	snop;
	(pc) =	sbr.ind lr, $3  }
0x3a: {  	_ = 	snop  }
0x3b: {  	_ = 	snop  }
0x3c: {  	p2 =	seq.s32 s10, $0x1;
	s10 =	sld [smem:$0x3FB8]  }
0x3d: {  	_ =	shalt  }
0x3e: {  	_ =	shalt  }
0x3f: {  	_ =	shalt  }
0x40: {  	_ =	shalt  }
0x41: {  	_ =	shalt  }
0x42: {  	_ =	shalt  }
0x43: {  	_ =	shalt  }
0x44: {  	_ =	shalt  }
0x45: {  	_ =	shalt  }
0x46: {  	_ =	shalt  }
0x47: {  	_ =	shalt  }
0x48: {  	_ =	shalt  }
0x49: {  	_ =	shalt  }
0x4a: {  	_ =	shalt  }
0x4b: {  	_ =	shalt  }
0x4c: {  	_ =	shalt  }
0x4d: {  	_ =	shalt  }
0x4e: {  	_ =	shalt  }
0x4f: {  	_ =	shalt  }
0x50: {  	_ =	shalt  }
0x51: {  	_ =	shalt  }
0x52: {  	_ =	shalt  }
0x53: {  	_ =	shalt  }
0x54: {  	_ =	shalt  }
0x55: {  	_ =	shalt  }
0x56: {  	_ =	shalt  }
0x57: {  	_ =	shalt  }
0x58: {  	_ =	shalt  }
0x59: {  	_ =	shalt  }
0x5a: {  	_ =	shalt  }
0x5b: {  	_ =	shalt  }
0x5c: {  	_ =	shalt  }
0x5d: {  	_ =	shalt  }
0x5e: {  	_ =	shalt  }
0x5f: {  	_ =	shalt  }
0x60: {  	_ =	shalt  }
0x61: {  	_ =	shalt  }
0x62: {  	_ =	shalt  }
0x63: {  	_ =	shalt  }
0x64: {  	_ =	shalt  }
0x65: {  	_ =	shalt  }
0x66: {  	_ =	shalt  }
0x67: {  	_ =	shalt  }
0x68: {  	_ =	shalt  }
0x69: {  	_ =	shalt  }
0x6a: {  	_ =	shalt  }
0x6b: {  	_ =	shalt  }
0x6c: {  	_ =	shalt  }
0x6d: {  	_ =	shalt  }
0x6e: {  	_ =	shalt  }
0x6f: {  	_ =	shalt  }
0x70: {  	_ =	shalt  }
0x71: {  	_ =	shalt  }
0x72: {  	_ =	shalt  }
0x73: {  	_ =	shalt  }
0x74: {  	_ =	shalt  }
0x75: {  	_ =	shalt  }
0x76: {  	_ =	shalt  }
0x77: {  	_ =	shalt  }
0x78: {  	_ =	shalt  }
0x79: {  	_ =	shalt  }
0x7a: {  	_ =	shalt  }
0x7b: {  	_ =	shalt  }
0x7c: {  	_ =	shalt  }
0x7d: {  	_ =	shalt  }
0x7e: {  	_ =	shalt  }
0x7f: {  	_ =	shalt  }
0x80: {  	_ =	shalt  }
0x81: {  	_ =	shalt  }
0x82: {  	_ =	shalt  }
0x83: {  	_ =	shalt  }
0x84: {  	_ =	shalt  }
0x85: {  	_ =	shalt  }
0x86: {  	_ =	shalt  }
0x87: {  	_ =	shalt  }
.Lfunc_end0:
.L_simem_size_0:
called_computation_lowered:
.L_overlay_start_0:
0x88: {  	s2 =	sld [smem:$0x3FD9]  }
0x89: {  	s3 =	sld [smem:$0x3FFE];
	_ =	sdelay $0x1  }
0x8a: {  	s1 =	srdreg.scid  }
0x8b: {  	s0 =	sand.u32 $0x1, s1  }
0x8c: {  	s17 =	sshll.u32 s0, $0xA;
	s2 =	sadd.s32 s3, s2  }
0x8d: {  	s2 =	sadd.s32 s2, s17  }
0x8e: {  	[smem:$0x3FC4] =	sst s2  }
0x8f: {  	_ = 	snop  }
0x90: {  	s2 =	sld [smem:$0x3FC9]  }
0x91: {  	s18 =	sld [smem:$0x3FD0];
	(tm) =	ssettm $0x1  }
0x92: {  	s4 =	sld [smem:$0x3FFB];
	_ =	sdelay $0x3  }
0x93: {  	_ =	strace s4  }
0x94: {  	s4 =	sld [smem:$0x3FFC];
	_ =	sdelay $0x3  }
0x95: {  	_ =	strace s4  }
0x96: {  	s4 =	sld [smem:$0x3FFD];
	_ =	sdelay $0x3  }
0x97: {  	_ =	strace s4  }
0x98: {  	_ =	strace $0x8FFFFFFF  }
0x99: {  	s19 =	sld [smem:$0x3FDB];
	_ =	sdelay $0x1  }
0x9a: {  	s5 =	simm.s32 $_scs_section_size  }
0x9b: {  	s6 =	simm.s32 $_size__tile_overlayer_lowered;
	s7 =	simm.s32 $_tile_overlayer_lowered  }
0x9c: {  	s22 =	simm.s32 $0x1BFF;
	s21 =	sshll.u32 s7, $0x1;
	s4 =	sadd.s32 s5, s19  }
0x9d: {  	s8 =	simm.s32 $0x0;
	s20 =	sshll.u32 s6, $0x1;
	s6 =	sadd.s32 s21, s4  }
0x9e: {  	[timem:s8], [sflag:s22] =	dma.local [hbm:s6], s20  }
0x9f: {  	_ =	swait.ge [sflag:s22], s20  }
0xa0: {  	s5 =	ssub.s32 $0x0, s20;
	[sflag:s22] =	ssyncset.done $0x0  }
0xa1: {  	[sflag:s22] =	ssyncadd.s32 s5;
	_ =	sdelay $0x1  }
0xa2: {  	s23 =	simm.s32 $0x1B8B  }
0xa3: {  	_ =	swait.ge [sflag:s23], $0x1  }
0xa4: {  	[sflag:s23] =	ssyncset.done $0x0  }
0xa5: {  	s25 =	simm.s32 $0x1B8E;
	s24 =	sld [smem:$0x3FFE];
	[sflag:s23] =	ssyncadd.s32 $0xFFFFFFFF  }
0xa6: {  	s26 =	simm.s32 $execute0_lowered;
	[smem:$0x3FD2] =	sst s25  }
0xa7: {  	s6 =	sshll.u32 s26, $0x1;
	_ =	strace $0x80000046;
	[dreg:$0x1] =	wrdreg $0xFFFFFFFF  }
0xa8: {  	s28 =	simm.s32 $_size_execute0_lowered;
	s4 =	sadd.s32 s4, s6;
	[dreg:$0x0] =	wrdreg $0x0  }
0xa9: {  	s6 =	sshll.u32 s28, $0x1;
	[dreg:$0x2] =	wrdreg s4  }
0xaa: {  	[dreg:$0x3] =	wrdreg s6  }
0xab: {  	[dreg:$0x4] =	wrdreg $0xC0  }
0xac: {  	_ =	task [dreg:s8], $0x5FFFF  }
0xad: {  	[dreg:$0x1] =	wrdreg $0xFFFFFFFF  }
0xae: {  	[dreg:$0x0] =	wrdreg $0x60  }
0xaf: {  	[dreg:$0x2] =	wrdreg s2  }
0xb0: {  	[dreg:$0x3] =	wrdreg s24  }
0xb1: {  	[dreg:$0x4] =	wrdreg s18  }
0xb2: {  	[dreg:$0x5] =	wrdreg $0x9  }
0xb3: {  	_ =	task.clear_ibuf [dreg:s8], $0x6FFFF;
	_ =	strace $0x90000046  }
0xb4: {  	s29 =	simm.s32 $0x9;
	_ =	strace $0x80000048  }
0xb5: {  	_ =	swait.ge [sflag:s29], $0x1  }
0xb6: {  	[sflag:s29] =	ssyncadd.s32 $0xFFFFFFFF  }
0xb7: {  	_ =	strace $0x90000048  }
0xb8: {  	_ =	sfence  }
0xb9: {  	s30 =	sld [smem:$0x0];
	_ =	sdelay $0x2  }
0xba: {  	s31 =	sshll.u32 s1, $0xD;
	s1 =	sshrl.u32 s1, $0x2  }
0xbb: {  	s3 =	sand.u32 $0x4000, s31;
	s1 =	sadd.s32 s1, s30  }
0xbc: {  	s0 =	sor.u32 s3, s0;
	s1 =	sshll.u32 s1, $0x11  }
0xbd: {  	s0 =	sor.u32 s1, s0  }
0xbe: {  	s0 =	sadd.s32 $0x8F2B, s0  }
0xbf: {  	[sflag:s0] =	ssyncadd.remote.s32 $0x1  }
0xc0: {  	_ =	sfence.sel $0xFFFF  }
0xc1: {  	[dreg:$0x0] =	wrdreg $0xFFFFFFFF;
	(pc) =	sbr.abs _section_cstart, $3  }
0xc2: {  	[dreg:$0x1] =	wrdreg $0xFFFFFFFF  }
0xc3: {  	_ =	task.clear_ibuf [dreg:s8], $0x2FFFF;
	_ =	strace $0x9FFFFFFF  }
0xc4: {  	(tm) =	ssettm $0x7FFFFFFF  }
0xc5: {  	_ =	shalt  }
tec
execute0_lowered:
.L_overlay_start_1:
0x0: {  	(tag) =	ssettag $0x1  }
0x1: {  	s7 =	rddreg [dreg:$0x0]  }
0x2: {  	s6 =	rddreg [dreg:$0x1]  }
0x3: {  	s9 =	rddreg [dreg:$0x2]  }
0x4: {  	s0 =	rddreg [dreg:$0x3]  }
0x5: {  	s2 =	simm.s32 $0x0;
	s3 =	srdreg.scid;
	s1 =	stileid.u32  }
0x6: {  	s13 =	simm.s32 $0x3200;
	s14 =	simm.s32 $0x1;
	s15 =	simm.s32 $0x3E80  }
0x7: {  	s17 =	simm.s32 $0x3E90;
	s19 =	simm.s32 $0x3EA0;
	s22 =	simm.s32 $0x0  }
0x8: {  	[smem:$0x7FF] =	sst s2;
	s5 =	sand.u32 $0x1, s3;
	s4 =	sshll.u32 s1, $0x1  }
0x9: {  	s3 =	sadd.s32 $0x1200, s6;
	s16 =	sadd.s32 $0x40, s9;
	s18 =	sadd.s32 $0x80, s9  }
0xa: {  	s21 =	sadd.s32 $0xC0, s9;
	_ =	strace $0x80000047;
	s8 =	sor.u32 s5, s4  }
0xb: {  	s4 =	sadd.s32 $0x1FC00, s6;
	s10 =	ssub.s32 $0x2, s5;
	s5 =	sadd.s32 $0x3E600, s6  }
0xc: {  	s6 =	sadd.s32 $0x5D000, s6;
	s12 =	sshrl.u32 s10, $0x1;
	s20 =	sshll.u32 s8, $0x1  }
0xd: {  	s11 =	smul.u32 $0x190, s8;
	s10 =	ssub.s32 s10, s12;
	s8 =	sadd.s32 s9, s20  }
0xe: {  	s12 =	simm.s32 $0x1900;
	s16 =	sadd.s32 s20, s16;
	s18 =	sadd.s32 s20, s18  }
0xf: {  	vm0 =	vcmask $0x1F00;
	v0 =	vimm.f32 $0.0e+00;
	v2 =	vimm.f32 $1.000000000e+00;
	s20 =	sadd.s32 s20, s21;
	s21 =	simm.s32 $0x3EB0;
	s7 =	sadd.s32 s7, s11  }
0x10: {  	v3 =	vlaneseq.u32;
	v1 =	vsel vm0, $0x3F800000, v0;
	v2 =	vsel vm0, $0x0, v2;
	s9 =	smax.u32 s10, $0x1;
	s10 =	simm.s32 $0x2;
	s11 =	simm.s32 $0xC80  }
.LBB2_1:
0x11: {  	[tilespmem:s2], [sflag:$0x2] =	stream.linear.gather [hbm4b:s7+s2], $0xC80, $0x38;
	[tilespmem:$0x3EC0] =	vst v63  }
0x12: {  	_ =	swait.ge [sflag:s10], $0xC80  }
0x13: {  	[sflag:s10] =	ssyncset.done $0x0  }
0x14: {  	[sflag:s10] =	ssyncadd.s32 $0xFFFFF380  }
0x15: {  	[tilespmem:s11], [sflag:$0x1] =	stream.indirect.gather [hbm4b:s3+s11], $0x1, s2, s11, $0xb8;
	[tilespmem:$0x3EC0] =	vst v63  }
0x16: {  	_ = 	snop  }
0x17: {  	[tilespmem:s12], [sflag:$0x1] =	stream.indirect.gather [hbm4b:s4+s11], $0x1, s2, s11, $0xb8;
	[tilespmem:$0x3EC0] =	vst v63  }
0x18: {  	s24 =	simm.s32 $0x2580  }
0x19: {  	[tilespmem:s24], [sflag:$0x1] =	stream.indirect.gather [hbm4b:s5+s11], $0x1, s2, s11, $0xb8;
	[tilespmem:$0x3EC0] =	vst v63  }
0x1a: {  	_ = 	snop  }
0x1b: {  	[tilespmem:s13], [sflag:$0x1] =	stream.indirect.gather [hbm4b:s6+s11], $0x1, s2, s11, $0xb8;
	[tilespmem:$0x3EC0] =	vst v63  }
0x1c: {  	_ =	swait.ge [sflag:s14], $0xC80  }
0x1d: {  	[sflag:s14] =	ssyncset.done $0x0  }
0x1e: {  	[sflag:s14] =	ssyncadd.s32 $0xFFFFF380  }
0x1f: {  	_ =	swait.ge [sflag:s14], $0xC80  }
0x20: {  	[sflag:s14] =	ssyncset.done $0x0  }
0x21: {  	[sflag:s14] =	ssyncadd.s32 $0xFFFFF380  }
0x22: {  	_ =	swait.ge [sflag:s14], $0xC80  }
0x23: {  	[sflag:s14] =	ssyncset.done $0x0  }
0x24: {  	[sflag:s14] =	ssyncadd.s32 $0xFFFFF380  }
0x25: {  	_ =	swait.ge [sflag:s14], $0xC80  }
0x26: {  	[sflag:s14] =	ssyncset.done $0x0  }
0x27: {  	[sflag:s14] =	ssyncadd.s32 $0xFFFFF380  }
0x28: {  	v0 =	vld [tilespmem:s24+$0xFFFFE880];
	_ =	sdelay $0x4  }
0x29: {  	[tilespmem:$0x1FFE0] =	vst v0;
	v0 =	vld [tilespmem:s24+$0xFFFFF500];
	_ =	sdelay $0x4  }
0x2a: {  	[tilespmem:$0x1FFF0] =	vst v0;
	v0 =	vld [tilespmem:s24+$0xFFFFE870];
	_ =	sdelay $0x4  }
0x2b: {  	[tilespmem:$0x1FFC0] =	vst v0;
	v0 =	vld [tilespmem:s24+$0xFFFFF4F0];
	_ =	sdelay $0x4  }
0x2c: {  	[tilespmem:$0x1FFD0] =	vst v0;
	v0 =	vld [tilespmem:s24+$0xFFFFE7B0];
	_ =	sdelay $0x4  }
0x2d: {  	[tilespmem:$0x1FF30] =	vst v0;
	v0 =	vld [tilespmem:s24+$0xFFFFE860];
	_ =	sdelay $0x2  }
0x2e: {  	v29 =	vld [tilespmem:s24+$0xFFFFE760]  }
0x2f: {  	v16 =	vld [tilespmem:s24+$0xFFFFE750]  }
0x30: {  	[tilespmem:$0x1FFA0] =	vst v0;
	v0 =	vld [tilespmem:s24+$0xFFFFF430]  }
0x31: {  	v17 =	vld [tilespmem:s24+$0xFFFFE800]  }
0x32: {  	v33 =	vld [tilespmem:s24+$0xFFFFF3D0]  }
0x33: {  	v34 =	vld [tilespmem:s24+$0xFFFFF480]  }
0x34: {  	v35 =	vld [tilespmem:s24+$0xFFFFE740]  }
0x35: {  	[tilespmem:$0x1FF50] =	vst v0;
	v0 =	vld [tilespmem:s24+$0xFFFFF4E0]  }
0x36: {  	v36 =	vld [tilespmem:s24+$0xFFFFE7F0]  }
0x37: {  	v37 =	vld [tilespmem:s24+$0xFFFFF3C0]  }
0x38: {  	v38 =	vld [tilespmem:s24+$0xFFFFF470]  }
0x39: {  	v39 =	vld [tilespmem:s24+$0xFFFFE730]  }
0x3a: {  	[tilespmem:$0x1FFB0] =	vst v0;
	v0 =	vld [tilespmem:s24+$0xB0]  }
0x3b: {  	v40 =	vld [tilespmem:s24+$0xFFFFE7E0]  }
0x3c: {  	v41 =	vld [tilespmem:s24+$0xFFFFF3B0]  }
0x3d: {  	v42 =	vld [tilespmem:s24+$0xFFFFF460]  }
0x3e: {  	v43 =	vld [tilespmem:s24+$0xFFFFE720]  }
0x3f: {  	[tilespmem:$0x1FF70] =	vst v0;
	v0 =	vld [tilespmem:s24+$0xD30]  }
0x40: {  	v44 =	vld [tilespmem:s24+$0xFFFFE7D0]  }
0x41: {  	v45 =	vld [tilespmem:s24+$0xFFFFF3A0]  }
0x42: {  	v46 =	vld [tilespmem:s24+$0xFFFFF450]  }
0x43: {  	v47 =	vld [tilespmem:s24+$0xFFFFE710]  }
0x44: {  	[tilespmem:$0x1FF90] =	vst v0;
	v0 =	vld [tilespmem:s24+$0xFFFFE7A0]  }
0x45: {  	v48 =	vld [tilespmem:s24+$0xFFFFF390]  }
0x46: {  	v49 =	vld [tilespmem:s24+$0xFFFFE700]  }
0x47: {  	v32 =	vld [tilespmem:s24+$0xFFFFE7C0]  }
0x48: {  	v50 =	vld [tilespmem:s24+$0xFFFFF380]  }
0x49: {  	[tilespmem:$0x1FF10] =	vst v0;
	v0 =	vld [tilespmem:s24+$0xFFFFF420]  }
0x4a: {  	v23 =	vld [tilespmem:s24+$0xFFFFF440]  }
0x4b: {  	v51 =	vld [tilespmem:s24+$0x0]  }
0x4c: {  	v52 =	vld [tilespmem:s24+$0xC80]  }
0x4d: {  	v31 =	vld [tilespmem:s24+$0xC0]  }
0x4e: {  	[tilespmem:$0x1FF40] =	vst v0;
	v0 =	vld [tilespmem:s24+$0xA0]  }
0x4f: {  	v30 =	vld [tilespmem:s24+$0xD40]  }
0x50: {  	v53 =	vld [tilespmem:s24+$0x10]  }
0x51: {  	v54 =	vld [tilespmem:s24+$0xC90]  }
0x52: {  	v55 =	vld [tilespmem:s24+$0x20]  }
0x53: {  	[tilespmem:$0x1FF60] =	vst v0;
	v0 =	vld [tilespmem:s24+$0xD20]  }
0x54: {  	v56 =	vld [tilespmem:s24+$0xD0]  }
0x55: {  	v57 =	vld [tilespmem:s24+$0xCA0]  }
0x56: {  	v58 =	vld [tilespmem:s24+$0xD50]  }
0x57: {  	v59 =	vld [tilespmem:s24+$0x30]  }
0x58: {  	[tilespmem:$0x1FF80] =	vst v0;
	v0 =	vld [tilespmem:s24+$0xFFFFE790]  }
0x59: {  	v60 =	vld [tilespmem:s24+$0xE0]  }
0x5a: {  	v61 =	vld [tilespmem:s24+$0xCB0]  }
0x5b: {  	v62 =	vld [tilespmem:s24+$0xD60]  }
0x5c: {  	v63 =	vld [tilespmem:s24+$0x40]  }
0x5d: {  	[tilespmem:$0x1FEF0] =	vst v0;
	v0 =	vld [tilespmem:s24+$0xFFFFF410]  }
0x5e: {  	v4 =	vld [tilespmem:s24+$0xCC0]  }
0x5f: {  	v5 =	vld [tilespmem:s24+$0xD70]  }
0x60: {  	v6 =	vld [tilespmem:s24+$0x50]  }
0x61: {  	v7 =	vld [tilespmem:s24+$0x100]  }
0x62: {  	[tilespmem:$0x1FF20] =	vst v0;
	v0 =	vld [tilespmem:s24+$0xFFFFE780]  }
0x63: {  	v8 =	vld [tilespmem:s24+$0xCD0]  }
0x64: {  	v9 =	vld [tilespmem:s24+$0xD80]  }
0x65: {  	v10 =	vld [tilespmem:s24+$0xFFFFF490]  }
0x66: {  	v11 =	vld [tilespmem:s24+$0x60]  }
0x67: {  	[tilespmem:$0x1FED0] =	vst v0;
	v0 =	vld [tilespmem:s24+$0xFFFFF400]  }
0x68: {  	v12 =	vld [tilespmem:s24+$0x110]  }
0x69: {  	v13 =	vld [tilespmem:s24+$0xCE0]  }
0x6a: {  	v14 =	vld [tilespmem:s24+$0xD90]  }
0x6b: {  	v15 =	vld [tilespmem:s24+$0xFFFFF3F0]  }
0x6c: {  	[tilespmem:$0x1FF00] =	vst v0;
	v0 =	vld [tilespmem:s24+$0xFFFFE770]  }
0x6d: {  	v18 =	vld [tilespmem:s24+$0xFFFFF4A0]  }
0x6e: {  	v19 =	vld [tilespmem:s24+$0x70]  }
0x6f: {  	v20 =	vld [tilespmem:s24+$0x120]  }
0x70: {  	v21 =	vld [tilespmem:s24+$0xCF0]  }
0x71: {  	[tilespmem:$0x1FEC0] =	vst v0;
	v0 =	vld [tilespmem:s24+$0xFFFFE820]  }
0x72: {  	v22 =	vld [tilespmem:s24+$0x80]  }
0x73: {  	v24 =	vld [tilespmem:s24+$0xDA0]  }
0x74: {  	v27 =	vld [tilespmem:s24+$0x90]  }
0x75: {  	v28 =	vld [tilespmem:s24+$0xD00];
	v49 =	vadd.f32 $0.0e+00, v49  }
0x76: {  	v50 =	vadd.f32 $0.0e+00, v50;
	[tilespmem:$0x1FEE0] =	vst v0;
	v0 =	vld [tilespmem:s24+$0xFFFFE810]  }
0x77: {  	v25 =	vld [tilespmem:s24+$0xD10];
	v47 =	vadd.f32 v47, v49;
	v49 =	vadd.f32 $0.0e+00, v51  }
0x78: {  	v26 =	vld [tilespmem:s24+$0xFFFFF4B0];
	v51 =	vmul.f32 v2, v32;
	v48 =	vadd.f32 v48, v50;
	v50 =	vadd.f32 $0.0e+00, v52  }
0x79: {  	v52 =	vld [tilespmem:s24+$0xFFFFE830]  }
0x7a: {  	v51 =	vadd.f32 $0.0e+00, v51;
	v50 =	vadd.f32 v54, v50;
	v54 =	vld [tilespmem:s24+$0xFFFFE840]  }
0x7b: {  	v49 =	vadd.f32 v53, v49;
	v53 =	vmul.f32 v2, v23;
	v43 =	vadd.f32 v43, v47;
	[tilespmem:$0x1FEA0] =	vst v0;
	v0 =	vld [tilespmem:s24+$0xFFFFF3E0]  }
0x7c: {  	v47 =	vmul.f32 v2, v31;
	v45 =	vadd.f32 v45, v48;
	v48 =	vld [tilespmem:s24+$0xFFFFE850];
	v44 =	vadd.f32 v51, v44  }
0x7d: {  	v51 =	vadd.f32 $0.0e+00, v53;
	v49 =	vadd.f32 v55, v49;
	v55 =	vld [tilespmem:s24+$0x130]  }
0x7e: {  	s23 =	simm.s32 $0x2710;
	v53 =	vmul.f32 v2, v30;
	v47 =	vadd.f32 $0.0e+00, v47;
	v39 =	vadd.f32 v39, v43;
	v43 =	vld [tilespmem:s24+$0x140]  }
0x7f: {  	v50 =	vadd.f32 v57, v50;
	v41 =	vadd.f32 v41, v45;
	v45 =	vld [tilespmem:s23+$0xFFFFF3B0]  }
0x80: {  	v46 =	vadd.f32 v51, v46;
	v51 =	vadd.f32 $0.0e+00, v53;
	[tilespmem:$0x1FEB0] =	vst v0;
	v0 =	vld [tilespmem:s24+$0xF0]  }
0x81: {  	v53 =	vld [tilespmem:s24+$0xFFFFF4C0];
	v47 =	vadd.f32 v47, v56;
	v57 =	vadd.f32 v61, v50  }
0x82: {  	v56 =	vld [tilespmem:s24+$0xFFFFF4D0];
	v40 =	vadd.f32 v44, v40  }
0x83: {  	v44 =	vld [tilespmem:s24+$0xDB0];
	v60 =	vadd.f32 v47, v60;
	v4 =	vadd.f32 v4, v57  }
0x84: {  	v35 =	vadd.f32 v35, v39;
	v39 =	vld [tilespmem:s24+$0x160]  }
0x85: {  	v8 =	vadd.f32 v8, v4;
	v4 =	vld [tilespmem:$0x1FEA0];
	v0 =	vadd.f32 v60, v0  }
0x86: {  	v37 =	vadd.f32 v37, v41;
	v61 =	vld [tilespmem:s24+$0xDE0];
	v36 =	vadd.f32 v40, v36  }
0x87: {  	v16 =	vadd.f32 v16, v35;
	v0 =	vadd.f32 v0, v7;
	v7 =	vld [tilespmem:$0x1FEB0]  }
0x88: {  	v41 =	vld [tilespmem:s23+$0xFFFFE730];
	v33 =	vadd.f32 v33, v37;
	v17 =	vadd.f32 v36, v17  }
0x89: {  	v0 =	vadd.f32 v0, v12;
	v12 =	vadd.f32 v13, v8;
	v13 =	vld [tilespmem:$0x1FEE0]  }
0x8a: {  	v16 =	vadd.f32 v29, v16;
	v29 =	vadd.f32 v17, v4;
	v17 =	vld [tilespmem:$0x1FEC0]  }
0x8b: {  	v59 =	vadd.f32 v59, v49;
	v49 =	vld [tilespmem:s23+$0xFFFFF3A0]  }
0x8c: {  	v8 =	vld [tilespmem:$0x1FED0];
	v33 =	vadd.f32 v7, v33  }
0x8d: {  	v50 =	vld [tilespmem:s23+$0xFFFFF450]  }
0x8e: {  	v29 =	vadd.f32 v29, v13;
	v13 =	vadd.f32 v15, v33;
	v15 =	vld [tilespmem:$0x1FEF0]  }
0x8f: {  	v51 =	vadd.f32 v51, v58;
	v47 =	vld [tilespmem:s24+$0x150];
	v16 =	vadd.f32 v17, v16  }
0x90: {  	v42 =	vadd.f32 v46, v42;
	v40 =	vld [tilespmem:s24+$0xDD0];
	v59 =	vadd.f32 v63, v59  }
0x91: {  	v63 =	vld [tilespmem:s24+$0xDF0];
	v58 =	vadd.f32 v51, v62;
	v8 =	vadd.f32 v8, v16  }
0x92: {  	v57 =	vld [tilespmem:s24+$0xE00];
	v38 =	vadd.f32 v42, v38  }
0x93: {  	v60 =	vadd.f32 v58, v5;
	v58 =	vadd.f32 v15, v8;
	v15 =	vld [tilespmem:$0x1FF00]  }
0x94: {  	v35 =	vld [tilespmem:s23+$0xFFFFE750];
	v34 =	vadd.f32 v38, v34  }
0x95: {  	v0 =	vadd.f32 v0, v20;
	v20 =	vld [tilespmem:$0x1FF20]  }
0x96: {  	v37 =	vld [tilespmem:s23+$0xFFFFF3D0];
	v10 =	vadd.f32 v34, v10  }
0x97: {  	v46 =	vld [tilespmem:s23+$0xFFFFF460];
	v6 =	vadd.f32 v6, v59  }
0x98: {  	v10 =	vadd.f32 v10, v18;
	v18 =	vadd.f32 v15, v13;
	v13 =	vld [tilespmem:$0x1FF10]  }
0x99: {  	v51 =	vld [tilespmem:s24+$0xDC0]  }
0x9a: {  	v11 =	vadd.f32 v11, v6;
	v18 =	vadd.f32 v20, v18;
	v20 =	vld [tilespmem:$0x1FF30]  }
0x9b: {  	v42 =	vld [tilespmem:s24+$0x170]  }
0x9c: {  	v62 =	vld [tilespmem:s24+$0x180];
	v11 =	vadd.f32 v19, v11  }
0x9d: {  	v36 =	vld [tilespmem:s23+$0xFFFFE800];
	v9 =	vadd.f32 v60, v9;
	v19 =	vadd.f32 v13, v58  }
0x9e: {  	v6 =	vld [tilespmem:s23+$0xFFFFF4F0]  }
0x9f: {  	v14 =	vadd.f32 v9, v14;
	v33 =	vadd.f32 v20, v19;
	v19 =	vld [tilespmem:$0x1FF40]  }
0xa0: {  	v38 =	vld [tilespmem:s23+$0xFFFFF480];
	v11 =	vadd.f32 v22, v11  }
0xa1: {  	v10 =	vadd.f32 v10, v26;
	v14 =	vadd.f32 v14, v24;
	v24 =	vld [tilespmem:$0x1FF50]  }
0xa2: {  	v34 =	vld [tilespmem:s23+$0xFFFFF3E0]  }
0xa3: {  	v11 =	vadd.f32 v27, v11;
	v27 =	vmul.f32 v1, v23;
	v23 =	vld [tilespmem:s23+$0xFFFFE790];
	v10 =	vadd.f32 v10, v53  }
0xa4: {  	v53 =	vld [tilespmem:s23+$0xFFFFE700];
	v22 =	vadd.f32 v19, v18  }
0xa5: {  	v10 =	vadd.f32 v10, v56;
	v56 =	vld [tilespmem:s23+$0xFFFFF380]  }
0xa6: {  	v24 =	vadd.f32 v24, v22;
	v22 =	vld [tilespmem:$0x1FF60]  }
0xa7: {  	v26 =	vld [tilespmem:$0x1FF80]  }
0xa8: {  	v27 =	vadd.f32 v27, v24;
	v24 =	vld [tilespmem:$0x1FF70]  }
0xa9: {  	v4 =	vld [tilespmem:s23+$0xFFFFF500]  }
0xaa: {  	v5 =	vld [tilespmem:s23+$0xFFFFE880];
	v12 =	vadd.f32 v21, v12  }
0xab: {  	v17 =	vld [tilespmem:s23+$0xFFFFE7B0];
	v11 =	vadd.f32 v22, v11  }
0xac: {  	v9 =	vld [tilespmem:s23+$0xFFFFE860];
	v12 =	vadd.f32 v28, v12  }
0xad: {  	v21 =	vld [tilespmem:s23+$0xFFFFE7A0];
	v28 =	vadd.f32 v29, v52;
	v29 =	vmul.f32 v1, v31;
	v11 =	vadd.f32 v24, v11  }
0xae: {  	v7 =	vld [tilespmem:s23+$0xFFFFE870]  }
0xaf: {  	v11 =	vadd.f32 v29, v11;
	v29 =	vld [tilespmem:$0x1FF90]  }
0xb0: {  	v14 =	vadd.f32 v14, v44;
	v44 =	vld [tilespmem:s23+$0xFFFFE7E0];
	v12 =	vadd.f32 v25, v12  }
0xb1: {  	v0 =	vadd.f32 v0, v55;
	v16 =	vld [tilespmem:s23+$0xFFFFF430]  }
0xb2: {  	v25 =	vld [tilespmem:s23+$0xFFFFE780];
	v12 =	vadd.f32 v26, v12  }
0xb3: {  	v0 =	vadd.f32 v0, v43;
	v43 =	vld [tilespmem:s23+$0xFFFFF470]  }
0xb4: {  	v14 =	vadd.f32 v14, v51;
	v51 =	vld [tilespmem:s23+$0xFFFFE710];
	v12 =	vadd.f32 v29, v12;
	v29 =	vmul.f32 v1, v30  }
0xb5: {  	v31 =	vld [tilespmem:s23+$0xFFFFE770]  }
0xb6: {  	v12 =	vadd.f32 v29, v12;
	v29 =	vld [tilespmem:$0x1FFB0]  }
0xb7: {  	v32 =	vmul.f32 v1, v32;
	v52 =	vld [tilespmem:s23+$0xFFFFF390]  }
0xb8: {  	v26 =	vld [tilespmem:s23+$0xFFFFE820]  }
0xb9: {  	v59 =	vadd.f32 v32, v33;
	v30 =	vld [tilespmem:$0x1FFA0]  }
0xba: {  	v0 =	vadd.f32 v0, v47;
	v47 =	vld [tilespmem:s23+$0xFFFFE720];
	v28 =	vadd.f32 v28, v54  }
0xbb: {  	(xrf2) =	vadd.scan.msk.f32 $0xffff, v59;
	v10 =	vadd.f32 v10, v29;
	v29 =	vld [tilespmem:$0x1FFC0]  }
0xbc: {  	v53 =	vadd.f32 $0.0e+00, v53;
	v28 =	vadd.f32 v28, v48;
	(xrf2) =	vadd.scan.msk.f32 $0xffff, v27;
	v27 =	vld [tilespmem:$0x1FFD0]  }
0xbd: {  	v56 =	vadd.f32 $0.0e+00, v56;
	v14 =	vadd.f32 v14, v40;
	(xrf2) =	vadd.scan.msk.f32 $0xffff, v11;
	v11 =	vld [tilespmem:$0x1FFE0]  }
0xbe: {  	v0 =	vadd.f32 v0, v39;
	(xrf2) =	vadd.scan.msk.f32 $0xffff, v12;
	v12 =	vld [tilespmem:$0x1FFF0];
	v28 =	vadd.f32 v28, v30  }
0xbf: {  	v40 =	vld [tilespmem:s23+$0xFFFFE7F0];
	v14 =	vadd.f32 v14, v61;
	v51 =	vadd.f32 v51, v53  }
0xc0: {  	v8 =	vld [tilespmem:s23+$0xFFFFF4E0];
	v0 =	vadd.f32 v0, v42;
	v28 =	vadd.f32 v28, v29  }
0xc1: {  	v39 =	vld [tilespmem:s23+$0xFFFFE740];
	v52 =	vadd.f32 v52, v56;
	v10 =	vadd.f32 v10, v27  }
0xc2: {  	v48 =	vld [tilespmem:s23+$0xFFFFE7D0];
	v47 =	vadd.f32 v47, v51;
	v11 =	vadd.f32 v28, v11  }
0xc3: {  	v42 =	vld [tilespmem:s23+$0xFFFFF3C0];
	v10 =	vadd.f32 v10, v12;
	v12 =	vadd.f32 v14, v63  }
0xc4: {  	v56 =	vld [tilespmem:s23+$0xCA0];
	v0 =	vadd.f32 v0, v62;
	v49 =	vadd.f32 v49, v52;
	(xrf2) =	vadd.scan.msk.f32 $0xffff, v11  }
0xc5: {  	v52 =	vld [tilespmem:s23+$0xE0];
	v41 =	vadd.f32 v41, v47;
	(xrf2) =	vadd.scan.msk.f32 $0xffff, v10;
	v10 =	vadd.f32 v12, v57  }
0xc6: {  	s31 =	simm.s32 $0xFFFFFFFF;
	v15 =	vld [tilespmem:s23+$0xB0];
	(xrf2) =	vadd.scan.msk.f32 $0xffff, v0;
	v0 =	vmov s2  }
0xc7: {  	v39 =	vadd.f32 v39, v41;
	v41 =	vld [tilespmem:s23+$0xFFFFF3F0];
	v11 =	vadd.s32 s31, v3;
	v0 =	vsub.s32 v3, v0;
	(xrf2) =	vadd.scan.msk.f32 $0xffff, v10  }
0xc8: {  	v13 =	vld [tilespmem:s23+$0xD30];
	v0 =	vmul.u32 v0, v0  }
0xc9: {  	v58 =	vld [tilespmem:s23+$0x0];
	v10 =	vmul.u32 v11, v11  }
0xca: {  	v20 =	vld [tilespmem:s23+$0xFFFFF420];
	v11, _, _ =	vpop (xrf2);
	v0 =	vmin.u32 v0, $0x1  }
0xcb: {  	v32 =	vld [tilespmem:s23+$0xFFFFE760];
	v12, _, _ =	vpop (xrf2);
	v11 =	vbroadcast v11, $0xF;
	v10 =	vmin.u32 v10, $0x1;
	v0 =	vxor.u32 $0x1, v0  }
0xcc: {  	v33 =	vld [tilespmem:s23+$0xFFFFE810];
	v14, _, _ =	vpop (xrf2);
	v12 =	vbroadcast v12, $0xF;
	v10 =	vxor.u32 $0x1, v10;
	v0 =	vcvt.s32.f32 v0  }
0xcd: {  	v59 =	vld [tilespmem:s23+$0xC80];
	v27, _, _ =	vpop (xrf2);
	v14 =	vbroadcast v14, $0xF;
	v10 =	vcvt.s32.f32 v10  }
0xce: {  	v39 =	vadd.f32 v35, v39;
	v19 =	vld [tilespmem:s23+$0xA0];
	v27 =	vbroadcast v27, $0xF;
	v28, _, _ =	vpop (xrf2);
	v11 =	vmul.f32 v0, v11  }
0xcf: {  	v18 =	vld [tilespmem:s23+$0xD20];
	v12 =	vmul.f32 v0, v12;
	v29, _, _ =	vpop (xrf2);
	v28 =	vbroadcast v28, $0xF  }
0xd0: {  	v32 =	vadd.f32 v32, v39;
	v39 =	vld [tilespmem:s23+$0x120];
	v14 =	vmul.f32 v0, v14;
	v0 =	vmul.f32 v0, v27;
	v60, _, _ =	vpop (xrf2)  }
0xd1: {  	v30 =	vld [tilespmem:s23+$0xFFFFE7C0];
	v61 =	vbroadcast v29, $0xF;
	v29, _, _ =	vpop (xrf2);
	v27 =	vmul.f32 v10, v28;
	v28 =	vimm.f32 $0.0e+00  }
0xd2: {  	v63 =	vld [tilespmem:s23+$0xD60];
	v54 =	vbroadcast v60, $0xF;
	v57 =	vbroadcast v29, $0xF;
	v11 =	vadd.f32 v11, v28  }
0xd3: {  	v29 =	vld [tilespmem:s23+$0xFFFFF440];
	v55 =	vmul.f32 v10, v61;
	v12 =	vadd.f32 v12, v28;
	v60 =	vadd.f32 v14, v28  }
0xd4: {  	v0 =	vadd.f32 v0, v28;
	v28 =	vld [tilespmem:s23+$0xC0];
	v54 =	vmul.f32 v10, v54;
	v10 =	vmul.f32 v10, v57  }
0xd5: {  	v14 =	vadd.f32 v27, v11;
	v12 =	vadd.f32 v55, v12;
	v55 =	vld [tilespmem:s23+$0x10]  }
0xd6: {  	v11 =	vadd.f32 v54, v60;
	v54 =	vmul.f32 v2, v30;
	v10 =	vadd.f32 v10, v0;
	v0 =	vld [tilespmem:s23+$0xC90]  }
0xd7: {  	v27 =	vld [tilespmem:s23+$0xD40]  }
0xd8: {  	v57 =	vadd.f32 $0.0e+00, v58;
	v58 =	vld [tilespmem:s23+$0x20];
	v60 =	vmul.f32 v2, v29;
	v53 =	vadd.f32 $0.0e+00, v54  }
0xd9: {  	v59 =	vadd.f32 $0.0e+00, v59;
	v54 =	vld [tilespmem:s23+$0xD0]  }
0xda: {  	v60 =	vadd.f32 $0.0e+00, v60;
	v48 =	vadd.f32 v53, v48;
	v53 =	vld [tilespmem:s23+$0x30]  }
0xdb: {  	v55 =	vadd.f32 v55, v57;
	v0 =	vadd.f32 v0, v59;
	v59 =	vld [tilespmem:s23+$0xD50]  }
0xdc: {  	v57 =	vmul.f32 v2, v28;
	v50 =	vadd.f32 v60, v50;
	v60 =	vld [tilespmem:s23+$0xCB0]  }
0xdd: {  	v45 =	vadd.f32 v45, v49;
	v62 =	vmul.f32 v2, v27;
	v55 =	vadd.f32 v58, v55;
	v58 =	vld [tilespmem:s23+$0xF0]  }
0xde: {  	v57 =	vadd.f32 $0.0e+00, v57;
	v44 =	vadd.f32 v48, v44;
	v48 =	vld [tilespmem:s23+$0xCC0]  }
0xdf: {  	v42 =	vadd.f32 v42, v45;
	v51 =	vadd.f32 $0.0e+00, v62;
	v62 =	vld [tilespmem:s23+$0xD70]  }
0xe0: {  	v54 =	vadd.f32 v57, v54;
	v0 =	vadd.f32 v56, v0;
	v56 =	vld [tilespmem:s23+$0x40]  }
0xe1: {  	v40 =	vadd.f32 v44, v40;
	v44 =	vld [tilespmem:s23+$0xCD0];
	v51 =	vadd.f32 v51, v59  }
0xe2: {  	v42 =	vadd.f32 v37, v42;
	v59 =	vadd.f32 v53, v55;
	v55 =	vld [tilespmem:s23+$0x100]  }
0xe3: {  	v61 =	vadd.f32 v54, v52;
	v51 =	vadd.f32 v51, v63;
	v63 =	vld [tilespmem:s23+$0x50]  }
0xe4: {  	v46 =	vadd.f32 v50, v46;
	v0 =	vadd.f32 v60, v0;
	v60 =	vld [tilespmem:s23+$0xFFFFF490]  }
0xe5: {  	v42 =	vadd.f32 v34, v42;
	v57 =	vadd.f32 v61, v58;
	v58 =	vld [tilespmem:s23+$0xD80]  }
0xe6: {  	v43 =	vadd.f32 v46, v43;
	v61 =	vld [tilespmem:s23+$0x60];
	v56 =	vadd.f32 v56, v59  }
0xe7: {  	v40 =	vadd.f32 v40, v36;
	v59 =	vadd.f32 v51, v62;
	v62 =	vld [tilespmem:s23+$0x110]  }
0xe8: {  	v0 =	vadd.f32 v48, v0;
	v45 =	vadd.f32 v63, v56;
	v63 =	vld [tilespmem:s23+$0xCE0]  }
0xe9: {  	v36 =	vld [tilespmem:s23+$0xD90];
	v38 =	vadd.f32 v43, v38;
	v37 =	vadd.f32 v40, v33  }
0xea: {  	v24 =	vld [tilespmem:s23+$0xFFFFF400];
	v43 =	vadd.f32 v31, v32;
	v0 =	vadd.f32 v44, v0  }
0xeb: {  	v46 =	vadd.f32 v57, v55;
	v33 =	vadd.f32 v38, v60;
	v38 =	vld [tilespmem:s23+$0xFFFFF4A0]  }
0xec: {  	s28 =	simm.s32 $0xFFFFFFFB;
	v40 =	vld [tilespmem:s23+$0x70];
	v35 =	vadd.f32 v59, v58;
	v34 =	vadd.f32 v61, v45  }
0xed: {  	s26 =	simm.s32 $0x2710;
	s25 =	simm.s32 $0x0;
	s24 =	simm.s32 $0xFFFFFFFD;
	v22 =	vld [tilespmem:s23+$0xFFFFF410];
	v32 =	vadd.f32 v46, v62;
	v31 =	vadd.f32 v63, v0  }
.LBB2_2:
0xee: {  	p0 =	sne.s32 s28, $0xFFFFFFF1;
	v0 =	vadd.f32 v25, v43;
	v25 =	vld [tilespmem:s23+$0xCF0];
	v35 =	vadd.f32 v35, v36  }
0xef: {  	v26 =	vadd.f32 v37, v26;
	v36 =	vadd.f32 v41, v42;
	v37 =	vld [tilespmem:s23+$0x80]  }
0xf0: {  	v0 =	vadd.f32 v23, v0;
	v23 =	vadd.f32 v33, v38;
	v33 =	vld [tilespmem:s23+$0xDA0]  }
0xf1: {  	v24 =	vadd.f32 v24, v36;
	v34 =	vadd.f32 v40, v34;
	v36 =	vld [tilespmem:s23+$0x90]  }
0xf2: {  	v0 =	vadd.f32 v21, v0;
	v21 =	vadd.f32 v32, v39;
	v32 =	vld [tilespmem:s23+$0xD00]  }
0xf3: {  	v38 =	vld [tilespmem:s23+$0xFFFFE830];
	v22 =	vadd.f32 v22, v24;
	v24 =	vadd.f32 v25, v31  }
0xf4: {  	v0 =	vadd.f32 v17, v0;
	v17 =	vmul.f32 v1, v30;
	v25 =	vadd.f32 v37, v34;
	v30 =	vld [tilespmem:s23+$0xD10]  }
0xf5: {  	v31 =	vld [tilespmem:s23+$0xFFFFE840];
	v20 =	vadd.f32 v20, v22;
	v22 =	vadd.f32 v35, v33  }
0xf6: {  	v0 =	vadd.f32 v17, v0;
	v17 =	vld [tilespmem:s23+$0xFFFFF4B0];
	v25 =	vadd.f32 v36, v25  }
0xf7: {  	v33 =	vld [tilespmem:s23+$0xFFFFE850];
	v16 =	vadd.f32 v16, v20;
	v20 =	vmul.f32 v1, v29;
	v24 =	vadd.f32 v32, v24  }
0xf8: {  	v26 =	vadd.f32 v26, v38;
	v29 =	vld [tilespmem:s23+$0xFFFFF4C0];
	v19 =	vadd.f32 v19, v25;
	(xrf2) =	vadd.scan.msk.f32 $0xffff, v0  }
0xf9: {  	v0 =	vadd.f32 v20, v16;
	v16 =	vld [tilespmem:s23+$0x130];
	v20 =	vadd.f32 v30, v24  }
0xfa: {  	v24 =	vadd.f32 v26, v31;
	v25 =	vld [tilespmem:s23+$0xFFFFF4D0];
	v15 =	vadd.f32 v15, v19;
	v19 =	vmul.f32 v1, v28  }
0xfb: {  	v17 =	vadd.f32 v23, v17;
	v23 =	vld [tilespmem:s23+$0x140];
	v18 =	vadd.f32 v18, v20;
	(xrf2) =	vadd.scan.msk.f32 $0xffff, v0  }
0xfc: {  	v0 =	vadd.f32 v24, v33;
	v15 =	vadd.f32 v19, v15;
	v19 =	vld [tilespmem:s23+$0xDB0]  }
0xfd: {  	v17 =	vadd.f32 v17, v29;
	v20 =	vld [tilespmem:s23+$0x150];
	v13 =	vadd.f32 v13, v18;
	v18 =	vmul.f32 v1, v27  }
0xfe: {  	v0 =	vadd.f32 v0, v9;
	v9 =	vadd.f32 v21, v16;
	v16 =	vld [tilespmem:s23+$0xDC0];
	(xrf2) =	vadd.scan.msk.f32 $0xffff, v15  }
0xff: {  	v15 =	vadd.f32 v17, v25;
	v17 =	vld [tilespmem:s23+$0x160];
	v13 =	vadd.f32 v18, v13  }
0x100: {  	v0 =	vadd.f32 v0, v7;
	v7 =	vadd.f32 v9, v23;
	v9 =	vld [tilespmem:s23+$0xDD0]  }
0x101: {  	v8 =	vadd.f32 v15, v8;
	v15 =	vld [tilespmem:s23+$0x170];
	v18 =	vadd.f32 v22, v19;
	(xrf2) =	vadd.scan.msk.f32 $0xffff, v13  }
0x102: {  	v0 =	vadd.f32 v0, v5;
	v5 =	vadd.f32 v7, v20;
	v7 =	vld [tilespmem:s23+$0xDE0];
	v22, _, _ =	vpop (xrf2)  }
0x103: {  	v6 =	vadd.f32 v8, v6;
	v8 =	vld [tilespmem:s23+$0x180];
	v13 =	vadd.f32 v18, v16  }
0x104: {  	s23 =	sadd.s32 $0x190, s23;
	v16 =	vadd.f32 v5, v17;
	v17 =	vld [tilespmem:s26+$0xDF0];
	(xrf2) =	vadd.scan.msk.f32 $0xffff, v0  }
0x105: {  	v5 =	vld [tilespmem:s23+$0xFFFFE880];
	v0 =	vadd.f32 v6, v4;
	v6 =	vadd.f32 v13, v9;
	v23, _, _ =	vpop (xrf2)  }
0x106: {  	v9 =	vadd.f32 v16, v15;
	v13 =	vld [tilespmem:s26+$0xE00];
	s26 =	smov.u32 s23  }
0x107: {  	v4 =	vld [tilespmem:s23+$0xFFFFF500];
	v15 =	vadd.f32 v6, v7;
	(xrf2) =	vadd.scan.msk.f32 $0xffff, v0  }
0x108: {  	v7 =	vld [tilespmem:s23+$0xFFFFE870];
	v0 =	vadd.f32 v9, v8;
	v24, _, _ =	vpop (xrf2)  }
0x109: {  	v6 =	vld [tilespmem:s23+$0xFFFFF4F0];
	v8 =	vadd.f32 v15, v17  }
0x10a: {  	v17 =	vld [tilespmem:s23+$0xFFFFE7B0];
	(xrf2) =	vadd.scan.msk.f32 $0xffff, v0  }
0x10b: {  	s25 =	sadd.s32 $0x2, s25;
	v9 =	vld [tilespmem:s23+$0xFFFFE860];
	v0 =	vadd.f32 v8, v13;
	v25, _, _ =	vpop (xrf2)  }
0x10c: {  	v13 =	vmov s25;
	v16 =	vld [tilespmem:s23+$0xFFFFF430]  }
0x10d: {  	v18 =	vadd.s32 s24, v3;
	s24 =	smov.u32 s28;
	v13 =	vsub.s32 v3, v13;
	v8 =	vld [tilespmem:s23+$0xFFFFF4E0];
	(xrf2) =	vadd.scan.msk.f32 $0xffff, v0  }
0x10e: {  	v18 =	vmul.u32 v18, v18;
	v0 =	vmul.u32 v13, v13;
	v15 =	vld [tilespmem:s23+$0xB0];
	v26, _, _ =	vpop (xrf2)  }
0x10f: {  	v13 =	vld [tilespmem:s23+$0xD30]  }
0x110: {  	v18 =	vmin.u32 v18, $0x1;
	v0 =	vmin.u32 v0, $0x1;
	v21 =	vld [tilespmem:s23+$0xFFFFE7A0]  }
0x111: {  	v18 =	vxor.u32 $0x1, v18;
	v0 =	vxor.u32 $0x1, v0;
	v20 =	vld [tilespmem:s23+$0xFFFFF420];
	v27, _, _ =	vpop (xrf2)  }
0x112: {  	v28 =	vcvt.s32.f32 v18;
	v0 =	vcvt.s32.f32 v0;
	v19 =	vld [tilespmem:s23+$0xA0]  }
0x113: {  	v29 =	vbroadcast v22, $0xF;
	v30 =	vbroadcast v23, $0xF;
	v18 =	vld [tilespmem:s23+$0xD20]  }
0x114: {  	v31 =	vbroadcast v24, $0xF;
	v32 =	vbroadcast v25, $0xF;
	v23 =	vld [tilespmem:s23+$0xFFFFE790];
	v33, _, _ =	vpop (xrf2)  }
0x115: {  	v34 =	vbroadcast v26, $0xF;
	v29 =	vmul.f32 v0, v29;
	v22 =	vld [tilespmem:s23+$0xFFFFF410]  }
0x116: {  	v27 =	vbroadcast v27, $0xF;
	v30 =	vmul.f32 v0, v30;
	v25 =	vld [tilespmem:s23+$0xFFFFE780]  }
0x117: {  	v35 =	vmul.f32 v0, v31;
	v33 =	vbroadcast v33, $0xF;
	v24 =	vld [tilespmem:s23+$0xFFFFF400];
	v26, _, _ =	vpop (xrf2)  }
0x118: {  	v0 =	vmul.f32 v0, v32;
	v31 =	vld [tilespmem:s23+$0xFFFFE770];
	v36 =	vbroadcast v26, $0xF  }
0x119: {  	v37 =	vmul.f32 v28, v34;
	v27 =	vmul.f32 v28, v27;
	v26 =	vld [tilespmem:s23+$0xFFFFE820]  }
0x11a: {  	v14 =	vadd.f32 v29, v14;
	v12 =	vadd.f32 v30, v12;
	v29 =	vmul.f32 v28, v33;
	v32 =	vld [tilespmem:s23+$0xFFFFE760]  }
0x11b: {  	v11 =	vadd.f32 v35, v11;
	v0 =	vadd.f32 v0, v10;
	v10 =	vmul.f32 v28, v36;
	v33 =	vld [tilespmem:s23+$0xFFFFE810]  }
0x11c: {  	v14 =	vadd.f32 v37, v14;
	v12 =	vadd.f32 v27, v12;
	v34 =	vld [tilespmem:s23+$0xFFFFF3E0]  }
0x11d: {  	v11 =	vadd.f32 v29, v11;
	v10 =	vadd.f32 v10, v0;
	v35 =	vld [tilespmem:s23+$0xFFFFE750]  }
0x11e: {  	v37 =	vld [tilespmem:s23+$0xFFFFE800]  }
0x11f: {  	v36 =	vld [tilespmem:s23+$0xFFFFF3D0]  }
0x120: {  	v38 =	vld [tilespmem:s23+$0xFFFFF480]  }
0x121: {  	v0 =	vld [tilespmem:s23+$0xFFFFE740]  }
0x122: {  	v39 =	vld [tilespmem:s23+$0xFFFFE7F0]  }
0x123: {  	v40 =	vld [tilespmem:s23+$0xFFFFF3C0]  }
0x124: {  	v41 =	vld [tilespmem:s23+$0xFFFFF470]  }
0x125: {  	v42 =	vld [tilespmem:s23+$0xFFFFE730]  }
0x126: {  	v43 =	vld [tilespmem:s23+$0xFFFFE7E0]  }
0x127: {  	v44 =	vld [tilespmem:s23+$0xFFFFF3B0]  }
0x128: {  	v45 =	vld [tilespmem:s23+$0xFFFFF460]  }
0x129: {  	v46 =	vld [tilespmem:s23+$0xFFFFE720]  }
0x12a: {  	v47 =	vld [tilespmem:s23+$0xFFFFE7D0]  }
0x12b: {  	v48 =	vld [tilespmem:s23+$0xFFFFF3A0]  }
0x12c: {  	v49 =	vld [tilespmem:s23+$0xFFFFF450]  }
0x12d: {  	v50 =	vld [tilespmem:s23+$0xFFFFE710]  }
0x12e: {  	v51 =	vld [tilespmem:s23+$0xFFFFF390]  }
0x12f: {  	v52 =	vld [tilespmem:s23+$0xFFFFE700]  }
0x130: {  	v30 =	vld [tilespmem:s23+$0xFFFFE7C0]  }
0x131: {  	v53 =	vld [tilespmem:s23+$0xFFFFF380]  }
0x132: {  	v29 =	vld [tilespmem:s23+$0xFFFFF440]  }
0x133: {  	v54 =	vld [tilespmem:s23+$0x0]  }
0x134: {  	v55 =	vld [tilespmem:s23+$0xC80]  }
0x135: {  	v28 =	vld [tilespmem:s23+$0xC0]  }
0x136: {  	v27 =	vld [tilespmem:s23+$0xD40]  }
0x137: {  	v56 =	vld [tilespmem:s23+$0x10]  }
0x138: {  	v52 =	vadd.f32 $0.0e+00, v52;
	v57 =	vmul.f32 v2, v30;
	v53 =	vadd.f32 $0.0e+00, v53;
	v58 =	vld [tilespmem:s23+$0xC90]  }
0x139: {  	v59 =	vmul.f32 v2, v29;
	v54 =	vadd.f32 $0.0e+00, v54;
	v60 =	vld [tilespmem:s23+$0x20];
	v55 =	vadd.f32 $0.0e+00, v55  }
0x13a: {  	v50 =	vadd.f32 v50, v52;
	v52 =	vadd.f32 $0.0e+00, v57;
	v57 =	vmul.f32 v2, v28;
	v61 =	vld [tilespmem:s23+$0xD0]  }
0x13b: {  	v51 =	vadd.f32 v51, v53;
	v53 =	vadd.f32 $0.0e+00, v59;
	v59 =	vld [tilespmem:s23+$0xCA0];
	v62 =	vmul.f32 v2, v27  }
0x13c: {  	v54 =	vadd.f32 v56, v54;
	v56 =	vadd.f32 $0.0e+00, v57;
	v57 =	vld [tilespmem:s23+$0xD50]  }
0x13d: {  	v63 =	vld [tilespmem:s23+$0x30];
	v55 =	vadd.f32 v58, v55;
	v58 =	vadd.f32 $0.0e+00, v62  }
0x13e: {  	v46 =	vadd.f32 v46, v50;
	v47 =	vadd.f32 v52, v47;
	v50 =	vld [tilespmem:s23+$0xE0]  }
0x13f: {  	v48 =	vadd.f32 v48, v51;
	v49 =	vadd.f32 v53, v49;
	v51 =	vld [tilespmem:s23+$0xCB0]  }
0x140: {  	v52 =	vadd.f32 v60, v54;
	v53 =	vadd.f32 v56, v61;
	v54 =	vld [tilespmem:s23+$0xD60]  }
0x141: {  	v55 =	vadd.f32 v59, v55;
	v56 =	vld [tilespmem:s23+$0x40];
	v57 =	vadd.f32 v58, v57  }
0x142: {  	v42 =	vadd.f32 v42, v46;
	v43 =	vadd.f32 v47, v43;
	v46 =	vld [tilespmem:s23+$0xF0]  }
0x143: {  	v44 =	vadd.f32 v44, v48;
	v45 =	vadd.f32 v49, v45;
	v47 =	vld [tilespmem:s23+$0xCC0]  }
0x144: {  	v48 =	vadd.f32 v63, v52;
	v49 =	vadd.f32 v53, v50;
	v50 =	vld [tilespmem:s23+$0xD70]  }
0x145: {  	v51 =	vadd.f32 v51, v55;
	v52 =	vld [tilespmem:s23+$0x50];
	v53 =	vadd.f32 v57, v54  }
0x146: {  	v0 =	vadd.f32 v0, v42;
	v39 =	vadd.f32 v43, v39;
	v42 =	vld [tilespmem:s23+$0x100]  }
0x147: {  	v40 =	vadd.f32 v40, v44;
	v41 =	vadd.f32 v45, v41;
	v43 =	vld [tilespmem:s23+$0xCD0]  }
0x148: {  	v44 =	vadd.f32 v56, v48;
	v45 =	vadd.f32 v49, v46;
	v46 =	vld [tilespmem:s23+$0xD80]  }
0x149: {  	v47 =	vadd.f32 v47, v51;
	v48 =	vld [tilespmem:s23+$0xFFFFF490];
	v49 =	vadd.f32 v53, v50  }
0x14a: {  	v0 =	vadd.f32 v35, v0;
	v37 =	vadd.f32 v39, v37;
	v39 =	vld [tilespmem:s23+$0x60]  }
0x14b: {  	v40 =	vadd.f32 v36, v40;
	v38 =	vadd.f32 v41, v38;
	v50 =	vld [tilespmem:s23+$0x110]  }
0x14c: {  	v44 =	vadd.f32 v52, v44;
	v45 =	vadd.f32 v45, v42;
	v51 =	vld [tilespmem:s23+$0xCE0]  }
.Ltmp0:
0x14d: {  	v47 =	vadd.f32 v43, v47;
	v35 =	vadd.f32 v49, v46;
	v36 =	vld [tilespmem:s23+$0xD90];
	(pc) =	sbr.rel @p0 .LBB2_2-.Ltmp0, $4  }
0x14e: {  	v0 =	vadd.f32 v32, v0;
	v37 =	vadd.f32 v37, v33;
	v41 =	vld [tilespmem:s23+$0xFFFFF3F0]  }
0x14f: {  	v42 =	vadd.f32 v34, v40;
	v33 =	vadd.f32 v38, v48;
	v38 =	vld [tilespmem:s23+$0xFFFFF4A0]  }
0x150: {  	v43 =	vadd.f32 v31, v0;
	v34 =	vadd.f32 v39, v44;
	v40 =	vld [tilespmem:s23+$0x70]  }
0x151: {  	s28 =	sadd.s32 $0xFFFFFFFE, s28;
	v32 =	vadd.f32 v45, v50;
	v39 =	vld [tilespmem:s23+$0x120];
	v31 =	vadd.f32 v51, v47  }
0x152: {  	v63 =	vld [tilespmem:s23+$0xCF0]  }
0x153: {  	v45 =	vld [tilespmem:s23+$0x80]  }
0x154: {  	v46 =	vld [tilespmem:s23+$0xDA0]  }
0x155: {  	v0 =	vadd.f32 v25, v43;
	v47 =	vld [tilespmem:s23+$0x90]  }
0x156: {  	v35 =	vadd.f32 v35, v36;
	v48 =	vld [tilespmem:s23+$0xD00];
	v44 =	vadd.f32 v41, v42  }
0x157: {  	v26 =	vadd.f32 v37, v26;
	v49 =	vld [tilespmem:s23+$0xFFFFE830];
	v0 =	vadd.f32 v23, v0  }
0x158: {  	v56 =	vld [tilespmem:s23+$0xFFFFF4B0];
	v33 =	vadd.f32 v33, v38;
	v24 =	vadd.f32 v24, v44  }
0x159: {  	v52 =	vld [tilespmem:s23+$0xD10];
	v34 =	vadd.f32 v40, v34;
	v0 =	vadd.f32 v21, v0  }
0x15a: {  	v54 =	vld [tilespmem:s23+$0xFFFFE840];
	v32 =	vadd.f32 v32, v39;
	v22 =	vadd.f32 v22, v24  }
0x15b: {  	v36 =	vld [tilespmem:s23+$0xDB0];
	v50 =	vadd.f32 v63, v31;
	v53 =	vadd.f32 v45, v34  }
0x15c: {  	v61 =	vld [tilespmem:s23+$0xFFFFF4C0];
	v55 =	vadd.f32 v35, v46;
	v60 =	vadd.f32 v26, v49  }
0x15d: {  	v58 =	vld [tilespmem:s23+$0xFFFFE850];
	v0 =	vadd.f32 v17, v0;
	v17 =	vadd.f32 v33, v56  }
0x15e: {  	v51 =	vmul.f32 v1, v30;
	v62 =	vld [tilespmem:s23+$0x130];
	v20 =	vadd.f32 v20, v22;
	v57 =	vadd.f32 v47, v53  }
0x15f: {  	v39 =	vld [tilespmem:s23+$0xDC0];
	v21 =	vadd.f32 v48, v50;
	v63 =	vadd.f32 v60, v54  }
0x160: {  	v43 =	vadd.f32 v55, v36;
	v0 =	vadd.f32 v51, v0  }
0x161: {  	v17 =	vadd.f32 v17, v61;
	v16 =	vadd.f32 v16, v20  }
0x162: {  	v19 =	vadd.f32 v19, v57;
	v21 =	vadd.f32 v52, v21  }
0x163: {  	v34 =	vld [tilespmem:s23+$0xFFFFF4D0];
	v38 =	vadd.f32 v63, v58;
	v20 =	vadd.f32 v32, v62  }
0x164: {  	v59 =	vmul.f32 v1, v29;
	v37 =	vld [tilespmem:s23+$0x140];
	v47 =	vadd.f32 v43, v39;
	v18 =	vadd.f32 v18, v21  }
0x165: {  	v42 =	vld [tilespmem:s23+$0xDD0];
	v35 =	vmul.f32 v1, v28;
	v15 =	vadd.f32 v15, v19;
	v9 =	vadd.f32 v38, v9  }
0x166: {  	v41 =	vmul.f32 v1, v27;
	v40 =	vld [tilespmem:s23+$0x150];
	v16 =	vadd.f32 v59, v16;
	v13 =	vadd.f32 v13, v18  }
0x167: {  	v45 =	vld [tilespmem:s23+$0xDE0];
	(xrf2) =	vadd.scan.msk.f32 $0xffff, v0;
	v15 =	vadd.f32 v35, v15;
	v7 =	vadd.f32 v9, v7  }
0x168: {  	v17 =	vadd.f32 v17, v34;
	v0 =	vld [tilespmem:s23+$0x160];
	(xrf2) =	vadd.scan.msk.f32 $0xffff, v16;
	v13 =	vadd.f32 v41, v13  }
0x169: {  	v46 =	vld [tilespmem:s23+$0x170];
	v44 =	vadd.f32 v20, v37;
	(xrf2) =	vadd.scan.msk.f32 $0xffff, v15;
	v5 =	vadd.f32 v7, v5  }
0x16a: {  	v49 =	vld [tilespmem:s26+$0xDF0];
	v8 =	vadd.f32 v17, v8;
	(xrf2) =	vadd.scan.msk.f32 $0xffff, v13  }
0x16b: {  	v50 =	vld [tilespmem:s23+$0x180];
	v48 =	vadd.f32 v44, v40;
	(xrf2) =	vadd.scan.msk.f32 $0xffff, v5;
	v5 =	vadd.f32 v47, v42  }
0x16c: {  	v51 =	vld [tilespmem:s26+$0xE00];
	v6 =	vadd.f32 v8, v6  }
0x16d: {  	s31 =	sadd.s32 $0x2, s25;
	v0 =	vadd.f32 v48, v0;
	v5 =	vadd.f32 v5, v45  }
0x16e: {  	v52 =	vmov s31;
	v4 =	vadd.f32 v6, v4  }
0x16f: {  	v6 =	vsub.s32 v3, v52;
	v0 =	vadd.f32 v0, v46;
	v5 =	vadd.f32 v5, v49  }
0x170: {  	v6 =	vmul.u32 v6, v6  }
0x171: {  	(xrf2) =	vadd.scan.msk.f32 $0xffff, v4;
	v0 =	vadd.f32 v0, v50;
	v4 =	vadd.s32 s24, v3;
	v5 =	vadd.f32 v5, v51  }
0x172: {  	v53, _, _ =	vpop (xrf2);
	v4 =	vmul.u32 v4, v4  }
0x173: {  	(xrf2) =	vadd.scan.msk.f32 $0xffff, v0;
	v0 =	vmin.u32 v6, $0x1;
	v54, _, _ =	vpop (xrf2)  }
0x174: {  	v4 =	vmin.u32 v4, $0x1;
	v0 =	vxor.u32 $0x1, v0;
	v55, _, _ =	vpop (xrf2);
	(xrf2) =	vadd.scan.msk.f32 $0xffff, v5  }
0x175: {  	v8 =	vbroadcast v53, $0xF;
	v4 =	vxor.u32 $0x1, v4;
	v0 =	vcvt.s32.f32 v0;
	v5, _, _ =	vpop (xrf2)  }
0x176: {  	v4 =	vcvt.s32.f32 v4;
	v56, _, _ =	vpop (xrf2)  }
0x177: {  	v8 =	vmul.f32 v0, v8;
	v9 =	vbroadcast v56, $0xF;
	_ =	sdelay $0x1  }
0x178: {  	v8 =	vadd.f32 v8, v14;
	v9 =	vmul.f32 v4, v9  }
0x179: {  	v7 =	vbroadcast v54, $0xF  }
0x17a: {  	v57, _, _ =	vpop (xrf2);
	v8 =	vadd.f32 v9, v8  }
0x17b: {  	v7 =	vmul.f32 v0, v7;
	v58 =	vbroadcast v57, $0xF  }
0x17c: {  	v59, _, _ =	vpop (xrf2);
	[tilespmem:$0x3E80] =	vst v8  }
0x17d: {  	v7 =	vadd.f32 v7, v12;
	v9 =	vmul.f32 v4, v58;
	v60, _, _ =	vpop (xrf2);
	[hbm4b:s8+s2] =	stream.linear.scatter [tilespmem:s15], [sflag:$0x2], $0x10, $0x38;
	[tilespmem:$0x3EC0] =	vst v63  }
0x17e: {  	v6 =	vbroadcast v55, $0xF;
	_ =	swait.ge [sflag:s10], $0x10  }
0x17f: {  	v7 =	vadd.f32 v9, v7;
	[sflag:s10] =	ssyncset.done $0x0  }
0x180: {  	v6 =	vmul.f32 v0, v6;
	v61 =	vbroadcast v59, $0xF;
	[sflag:s10] =	ssyncadd.s32 $0xFFFFFFF0  }
0x181: {  	[tilespmem:$0x3E90] =	vst v7  }
0x182: {  	v6 =	vadd.f32 v6, v11;
	v62 =	vmul.f32 v4, v61;
	[hbm4b:s16+s2] =	stream.linear.scatter [tilespmem:s17], [sflag:$0x2], $0x10, $0x38;
	[tilespmem:$0x3EC0] =	vst v63  }
0x183: {  	v5 =	vbroadcast v5, $0xF;
	_ =	swait.ge [sflag:s10], $0x10  }
0x184: {  	v6 =	vadd.f32 v62, v6;
	[sflag:s10] =	ssyncset.done $0x0  }
0x185: {  	v0 =	vmul.f32 v0, v5;
	v63 =	vbroadcast v60, $0xF;
	[sflag:s10] =	ssyncadd.s32 $0xFFFFFFF0  }
0x186: {  	[tilespmem:$0x3EA0] =	vst v6  }
0x187: {  	v0 =	vadd.f32 v0, v10;
	v4 =	vmul.f32 v4, v63;
	[hbm4b:s18+s2] =	stream.linear.scatter [tilespmem:s19], [sflag:$0x2], $0x10, $0x38;
	[tilespmem:$0x3EC0] =	vst v63  }
0x188: {  	_ =	swait.ge [sflag:s10], $0x10  }
0x189: {  	s22 =	sadd.s32 $0x1, s22;
	v0 =	vadd.f32 v4, v0;
	[sflag:s10] =	ssyncset.done $0x0  }
0x18a: {  	p0 =	sne.s32 s22, s9;
	[sflag:s10] =	ssyncadd.s32 $0xFFFFFFF0  }
.Ltmp1:
0x18b: {  	[tilespmem:$0x3EB0] =	vst v0;
	(pc) =	sbr.rel @p0 .LBB2_1-.Ltmp1, $4  }
0x18c: {  	[hbm4b:s20+s2] =	stream.linear.scatter [tilespmem:s21], [sflag:$0x2], $0x10, $0x38;
	[tilespmem:$0x3EC0] =	vst v63  }
0x18d: {  	_ =	swait.ge [sflag:s10], $0x10  }
0x18e: {  	[sflag:s10] =	ssyncset.done $0x0  }
0x18f: {  	[sflag:s10] =	ssyncadd.s32 $0xFFFFFFF0  }
0x190: {  	_ =	sfence.sel $0x180000  }
0x191: {  	[bflag:$0x0] =	sbarrier.arrive $0xFFFF  }
0x192: {  	p0 =	sne.s32 s1, $0x0;
	_ =	strace $0x90000047  }
0x193: {  	s0 =	sadd.s32 @!p0 $0x100000, s0;
	[bflag:$0x2] =	sbarrier.arrive $0xFFFF  }
0x194: {  	[sflag:s0] =	ssyncadd.tile.s32 @!p0 $0x1;
	_ =	shalt  }
.Lfunc_end2:
_tile_overlayer_lowered:
.L_overlay_start_2:
0x195: {  	(tag) =	ssettag $0x2  }
0x196: {  	s0 =	rddreg [dreg:$0x0];
	s2 =	stileid.u32  }
0x197: {  	s1 =	rddreg [dreg:$0x1];
	p0 =	sne.s32 s2, $0x0  }
0x198: {  	s3 =	rddreg [dreg:$0x2];
	[bflag:$0x3] =	sbarrier.arrive $0xFFFF;
	s2 =	simm.s32 @!p0 $0x1C02  }
0x199: {  	[timem:s3], [sflag:s2] =	dma.local @!p0 [hbm:s0], s1  }
0x19a: {  	s0 =	simm.s32 @!p0 $0x2  }
0x19b: {  	_ =	swait.ge @!p0 [sflag:s0], s1  }
0x19c: {  	s1 =	ssub.s32 @!p0 $0x0, s1;
	[sflag:s0] =	ssyncset.done @!p0 $0x0  }
0x19d: {  	[sflag:s0] =	ssyncadd.s32 @!p0 s1  }
0x19e: {  	[bflag:$0x3] =	sbarrier.arrive $0xFFFF  }
0x19f: {  	_ =	shalt  }

</sc_bundles>
